<compile_context>
chip_gen: v7x
topology: tpu7x:2x2x1
jax: 0.10.2.dev20260603
libtpu: 0.0.44.dev20260713+nightly
codegen_flags: <defaults>
</compile_context>

<pallas_src>
import math
import functools

import jax
import jax.numpy as jnp
from jax import lax
from jax.experimental import pallas as pl
from jax.experimental.pallas import tpu as pltpu
from jax.experimental.pallas import tpu_sc as plsc

_DIM = 1024
_NEG_LOG_FREQ_OVER_DIM = -math.log(10000.0) / _DIM
_SUB = 256
_NBASE = 16


def _pe_table_block(out_ref, sr_ref, cr_ref, ca_ref, cb_ref):
    i = pl.program_id(0)

    @pl.when(i == 0)
    def _init_scratch():
        lane = jax.lax.broadcasted_iota(jnp.int32, (16, _DIM), 1)
        even = (lane % 2) == 0
        inv_freq = jnp.exp((lane - (lane % 2)).astype(jnp.float32)
                           * _NEG_LOG_FREQ_OVER_DIM)
        j = jax.lax.broadcasted_iota(jnp.int32, (16, _DIM), 0)
        jf = j.astype(jnp.float32) * inv_freq
        s_lo = jnp.sin(jf)
        c_lo = jnp.cos(jf)
        s_hi, c_hi = s_lo, c_lo
        for _ in range(4):
            s_hi, c_hi = 2.0 * s_hi * c_hi, c_hi * c_hi - s_hi * s_hi
        for q in range(16):
            sq = s_hi[q:q + 1, :]
            cq = c_hi[q:q + 1, :]
            sl = pl.ds(q * 16, 16)
            sr_ref[sl, :] = sq * c_lo + cq * s_lo
            cr_ref[sl, :] = cq * c_lo - sq * s_lo
        s_b, c_b = s_hi, c_hi
        for _ in range(4):
            s_b, c_b = 2.0 * s_b * c_b, c_b * c_b - s_b * s_b
        ca_ref[...] = jnp.where(even, c_b, -s_b)
        cb_ref[...] = jnp.where(even, s_b, c_b)

    k = i % _NBASE
    ca = ca_ref[pl.ds(k, 1), :]
    cb = cb_ref[pl.ds(k, 1), :]
    out_ref[...] = sr_ref[...] * ca + cr_ref[...] * cb


def _make_pe_table(max_len):
    return pl.pallas_call(
        _pe_table_block,
        grid=(max_len // _SUB,),
        out_specs=pl.BlockSpec((_SUB, _DIM), lambda i: (i, 0)),
        out_shape=jax.ShapeDtypeStruct((max_len, _DIM), jnp.float32),
        scratch_shapes=[
            pltpu.VMEM((_SUB, _DIM), jnp.float32),
            pltpu.VMEM((_SUB, _DIM), jnp.float32),
            pltpu.VMEM((_NBASE, _DIM), jnp.float32),
            pltpu.VMEM((_NBASE, _DIM), jnp.float32),
        ],
    )()


def _sc_add(flat_emb, pe_flat, rows, max_len):
    info = plsc.get_sparse_core_info()
    nc, ns = info.num_cores, info.num_subcores
    nw = nc * ns
    rpw = rows // nw
    ch = 32
    n_chunks = rpw // ch
    words = ch * _DIM
    mesh = plsc.VectorSubcoreMesh(core_axis_name="c", subcore_axis_name="s")

    @functools.partial(
        pl.kernel, mesh=mesh,
        out_type=jax.ShapeDtypeStruct((rows * _DIM,), jnp.float32),
        scratch_types=[
            pltpu.VMEM((words,), jnp.float32),
            pltpu.VMEM((words,), jnp.float32),
        ],
    )
    def k(emb_hbm, pe_hbm, out_hbm, ebuf, pbuf):
        wid = lax.axis_index("s") * nc + lax.axis_index("c")
        base = wid * rpw
        pe_base = (wid % (max_len // rpw)) * rpw

        for t in range(n_chunks):
            r0 = (base + t * ch) * _DIM
            p0 = (pe_base + t * ch) * _DIM
            pltpu.sync_copy(emb_hbm.at[pl.ds(r0, words)], ebuf)
            pltpu.sync_copy(pe_hbm.at[pl.ds(p0, words)], pbuf)

            def body(v, _):
                sl = pl.ds(v * 16, 16)
                ebuf[sl] = ebuf[sl] + pbuf[sl]
                return _

            lax.fori_loop(0, words // 16, body, 0)
            pltpu.sync_copy(ebuf, out_hbm.at[pl.ds(r0, words)])

    return k(flat_emb.reshape(-1), pe_flat)


@jax.jit
def kernel(position_ids, embeddings):
    batch, max_len, dim = embeddings.shape
    pe = _make_pe_table(max_len)
    out = _sc_add(embeddings.reshape(batch * max_len, dim),
                  pe.reshape(-1), batch * max_len, max_len)
    return out.reshape(batch, max_len, dim)

# --- scband reference (transcript-rebuilt; emitter-appended) ---
"""Pipeline reference for scband-positional-encoder-13666585936401 (READ-ONLY COPY).

The authoritative reference and input builder live on the scoring server;
editing this copy changes nothing except your own understanding.
"""

import jax, jax.numpy as jnp
import numpy as np

DIM = 1024
FREQ = 10000.0


def setup_inputs(seed: int = 0) -> dict:
    key = jax.random.key(seed)
    k1, k2 = jax.random.split(key)
    position_ids = jax.random.randint(k1, (4, 4096), 0, 4096)
    embeddings = jax.random.normal(k2, (4, 4096, DIM), dtype=jnp.float32)
    return {"position_ids": position_ids, "embeddings": embeddings}


def _sinusoidal_table(max_len: int) -> jnp.ndarray:
    positions = jnp.arange(max_len, dtype=jnp.float32)[:, None]
    div_term = jnp.exp(
        jnp.arange(0, DIM, 2, dtype=jnp.float32) * -(jnp.log(jnp.asarray(FREQ, jnp.float32)) / DIM)
    )
    ang = positions * div_term
    pe = jnp.zeros((max_len, DIM), dtype=jnp.float32)
    pe = pe.at[:, 0::2].set(jnp.sin(ang))
    pe = pe.at[:, 1::2].set(jnp.cos(ang))
    return pe


def reference(position_ids, embeddings):
    # PositionalEncoder(SinusoidalFlat(dim, freq), is_gate=False):
    # core ignores position_ids values, uses shape only; op = add
    batch_size, max_len = position_ids.shape[:2]
    pe = _sinusoidal_table(max_len)
    pe_b = jnp.broadcast_to(pe[None, :, :], (batch_size, max_len, DIM))
    return pe_b + embeddings

if __name__ == "__main__":
    import jax
    _d = setup_inputs()
    print(jax.jit(kernel)(*tuple(_d.values())))

</pallas_src>

<mosaic_0001>
#map = affine_map<(d0, d1) -> (0)>
module attributes {stable_mosaic.version = 14 : i64} {
  func.func @k(%arg0: i32, %arg1: i32, %arg2: memref<16777216xf32, #tpu.memory_space<hbm>>, %arg3: memref<4194304xf32, #tpu.memory_space<hbm>>, %arg4: memref<16777216xf32, #tpu.memory_space<hbm>>, %arg5: memref<32768xf32, #tpu.memory_space<vmem>>, %arg6: memref<32768xf32, #tpu.memory_space<vmem>>) attributes {dimension_semantics = [#tpu.dimension_semantics<core_parallel>, #tpu.dimension_semantics<subcore_parallel>], iteration_bounds = array<i64: 2, 16>, scalar_prefetch = 0 : i64, scratch_operands = 2 : i64, tpu.core_type = #tpu.core_type<sc_vector_subcore>, window_params = [{transform_indices = #map}, {transform_indices = #map}, {transform_indices = #map}]} {
    %mul3A = arith.constant 2 : i32
    %mul3A_0 = arith.muli %arg1, %mul3A : i32
    %add3A = arith.addi %mul3A_0, %arg0 : i32
    %mul3A_1 = arith.constant 512 : i32
    %mul3A_2 = arith.muli %add3A, %mul3A_1 : i32
    %jit3A = arith.constant 8 : i32
    %eq3A = arith.constant 0 : i32
    %eq3A_3 = arith.cmpi eq, %jit3A, %eq3A : i32
    %jit3A_4 = arith.constant 1 : i32
    %select_n3A = arith.select %eq3A_3, %jit3A_4, %jit3A : i32
    %rem3A = arith.remsi %add3A, %select_n3A : i32
    %ne3A = arith.constant 0 : i32
    %ne3A_5 = arith.cmpi ne, %rem3A, %ne3A : i32
    %lt3A = arith.constant 0 : i32
    %lt3A_6 = arith.cmpi slt, %rem3A, %lt3A : i32
    %lt3A_7 = arith.constant 0 : i32
    %lt3A_8 = arith.cmpi slt, %select_n3A, %lt3A_7 : i32
    %ne3A_9 = arith.xori %lt3A_6, %lt3A_8 : i1
    %and3A = arith.andi %ne3A_9, %ne3A_5 : i1
    %add3A_10 = arith.addi %rem3A, %select_n3A : i32
    %select_n3A_11 = arith.select %and3A, %add3A_10, %rem3A : i32
    %mul3A_12 = arith.constant 512 : i32
    %mul3A_13 = arith.muli %select_n3A_11, %mul3A_12 : i32
    %add3A_14 = arith.constant 0 : i32
    %add3A_15 = arith.addi %mul3A_2, %add3A_14 : i32
    %mul3A_16 = arith.constant 1024 : i32
    %mul3A_17 = arith.muli %add3A_15, %mul3A_16 : i32
    %add3A_18 = arith.constant 0 : i32
    %add3A_19 = arith.addi %mul3A_13, %add3A_18 : i32
    %mul3A_20 = arith.constant 1024 : i32
    %mul3A_21 = arith.muli %add3A_19, %mul3A_20 : i32
    "tpu.region"() ({
      %run_scoped3A = tpu.sem_alloc : memref<!tpu.dma_semaphore, #tpu.memory_space<semaphore_mem>>
      %dma_start3A = tpu.memref_slice %arg2[%mul3A_17] : memref<16777216xf32, #tpu.memory_space<hbm>> -> memref<32768xf32, #tpu.memory_space<hbm>>
      %dma_start3A_237 = tpu.memref_slice %arg2[%mul3A_17] : memref<16777216xf32, #tpu.memory_space<hbm>> -> memref<32768xf32, #tpu.memory_space<hbm>>
      tpu.enqueue_dma source(%dma_start3A_237 : memref<32768xf32, #tpu.memory_space<hbm>>) target(%arg5 : memref<32768xf32, #tpu.memory_space<vmem>>) target_semaphore(%run_scoped3A : memref<!tpu.dma_semaphore, #tpu.memory_space<semaphore_mem>>)
      %dma_wait3A = tpu.memref_slice %arg2[%mul3A_17] : memref<16777216xf32, #tpu.memory_space<hbm>> -> memref<32768xf32, #tpu.memory_space<hbm>>
      %dma_wait3A_238 = tpu.memref_slice %arg2[%mul3A_17] : memref<16777216xf32, #tpu.memory_space<hbm>> -> memref<32768xf32, #tpu.memory_space<hbm>>
      tpu.wait_dma2 semaphore(%run_scoped3A : memref<!tpu.dma_semaphore, #tpu.memory_space<semaphore_mem>>) src(%dma_wait3A_238 : memref<32768xf32, #tpu.memory_space<hbm>>) dst(%arg5 : memref<32768xf32, #tpu.memory_space<vmem>>)
      tpu.yield
    }) : () -> ()
    "tpu.region"() ({
      %run_scoped3A = tpu.sem_alloc : memref<!tpu.dma_semaphore, #tpu.memory_space<semaphore_mem>>
      %dma_start3A = tpu.memref_slice %arg3[%mul3A_21] : memref<4194304xf32, #tpu.memory_space<hbm>> -> memref<32768xf32, #tpu.memory_space<hbm>>
      %dma_start3A_237 = tpu.memref_slice %arg3[%mul3A_21] : memref<4194304xf32, #tpu.memory_space<hbm>> -> memref<32768xf32, #tpu.memory_space<hbm>>
      tpu.enqueue_dma source(%dma_start3A_237 : memref<32768xf32, #tpu.memory_space<hbm>>) target(%arg6 : memref<32768xf32, #tpu.memory_space<vmem>>) target_semaphore(%run_scoped3A : memref<!tpu.dma_semaphore, #tpu.memory_space<semaphore_mem>>)
      %dma_wait3A = tpu.memref_slice %arg3[%mul3A_21] : memref<4194304xf32, #tpu.memory_space<hbm>> -> memref<32768xf32, #tpu.memory_space<hbm>>
      %dma_wait3A_238 = tpu.memref_slice %arg3[%mul3A_21] : memref<4194304xf32, #tpu.memory_space<hbm>> -> memref<32768xf32, #tpu.memory_space<hbm>>
      tpu.wait_dma2 semaphore(%run_scoped3A : memref<!tpu.dma_semaphore, #tpu.memory_space<semaphore_mem>>) src(%dma_wait3A_238 : memref<32768xf32, #tpu.memory_space<hbm>>) dst(%arg6 : memref<32768xf32, #tpu.memory_space<vmem>>)
      tpu.yield
    }) : () -> ()
    %scan3A = arith.constant 0 : i32
    %scan3A_22 = arith.constant 0 : i32
    %scan3A_23 = arith.constant 2048 : i32
    %scan3A_24 = arith.addi %scan3A_22, %scan3A_23 : i32
    %scan3A_25 = arith.constant 1 : i32
    scf.for %scan3A_237 = %scan3A_22 to %scan3A_24 step %scan3A_25  : i32 {
      %mul3A_238 = arith.constant 16 : i32
      %mul3A_239 = arith.muli %scan3A_237, %mul3A_238 : i32
      %get3A = arith.index_cast %mul3A_239 : i32 to index
      %get3A_240 = tpu.vector_load %arg5[%get3A] {strides = array<i32>} : memref<32768xf32, #tpu.memory_space<vmem>>, vector<16xf32>,
      %get3A_241 = vector.shape_cast %get3A_240 : vector<16xf32> to vector<16xf32>
      %get3A_242 = arith.index_cast %mul3A_239 : i32 to index
      %get3A_243 = tpu.vector_load %arg6[%get3A_242] {strides = array<i32>} : memref<32768xf32, #tpu.memory_space<vmem>>, vector<16xf32>,
      %get3A_244 = vector.shape_cast %get3A_243 : vector<16xf32> to vector<16xf32>
      %add3A_245 = arith.addf %get3A_241, %get3A_244 : vector<16xf32>
      %swap3A = arith.index_cast %mul3A_239 : i32 to index
      %swap3A_246 = tpu.vector_load %arg5[%swap3A] {strides = array<i32>} : memref<32768xf32, #tpu.memory_space<vmem>>, vector<16xf32>,
      %swap3A_247 = vector.shape_cast %swap3A_246 : vector<16xf32> to vector<16xf32>
      %swap3A_248 = vector.shape_cast %add3A_245 : vector<16xf32> to vector<16xf32>
      tpu.vector_store %arg5[%swap3A], %swap3A_248 {strides = array<i32>} : memref<32768xf32, #tpu.memory_space<vmem>>, vector<16xf32>,
    }
    %scan3A_26 = arith.constant 2048 : i32
    "tpu.region"() ({
      %run_scoped3A = tpu.sem_alloc : memref<!tpu.dma_semaphore, #tpu.memory_space<semaphore_mem>>
      %dma_start3A = tpu.memref_slice %arg4[%mul3A_17] : memref<16777216xf32, #tpu.memory_space<hbm>> -> memref<32768xf32, #tpu.memory_space<hbm>>
      %dma_start3A_237 = tpu.memref_slice %arg4[%mul3A_17] : memref<16777216xf32, #tpu.memory_space<hbm>> -> memref<32768xf32, #tpu.memory_space<hbm>>
      tpu.enqueue_dma source(%arg5 : memref<32768xf32, #tpu.memory_space<vmem>>) target(%dma_start3A_237 : memref<32768xf32, #tpu.memory_space<hbm>>) target_semaphore(%run_scoped3A : memref<!tpu.dma_semaphore, #tpu.memory_space<semaphore_mem>>)
      %dma_wait3A = tpu.memref_slice %arg4[%mul3A_17] : memref<16777216xf32, #tpu.memory_space<hbm>> -> memref<32768xf32, #tpu.memory_space<hbm>>
      %dma_wait3A_238 = tpu.memref_slice %arg4[%mul3A_17] : memref<16777216xf32, #tpu.memory_space<hbm>> -> memref<32768xf32, #tpu.memory_space<hbm>>
      tpu.wait_dma2 semaphore(%run_scoped3A : memref<!tpu.dma_semaphore, #tpu.memory_space<semaphore_mem>>) src(%arg5 : memref<32768xf32, #tpu.memory_space<vmem>>) dst(%dma_wait3A_238 : memref<32768xf32, #tpu.memory_space<hbm>>)
      tpu.yield
    }) : () -> ()
    %add3A_27 = arith.constant 32 : i32
    %add3A_28 = arith.addi %mul3A_2, %add3A_27 : i32
    %mul3A_29 = arith.constant 1024 : i32
    %mul3A_30 = arith.muli %add3A_28, %mul3A_29 : i32
    %add3A_31 = arith.constant 32 : i32
    %add3A_32 = arith.addi %mul3A_13, %add3A_31 : i32
    %mul3A_33 = arith.constant 1024 : i32
    %mul3A_34 = arith.muli %add3A_32, %mul3A_33 : i32
    "tpu.region"() ({
      %run_scoped3A = tpu.sem_alloc : memref<!tpu.dma_semaphore, #tpu.memory_space<semaphore_mem>>
      %dma_start3A = tpu.memref_slice %arg2[%mul3A_30] : memref<16777216xf32, #tpu.memory_space<hbm>> -> memref<32768xf32, #tpu.memory_space<hbm>>
      %dma_start3A_237 = tpu.memref_slice %arg2[%mul3A_30] : memref<16777216xf32, #tpu.memory_space<hbm>> -> memref<32768xf32, #tpu.memory_space<hbm>>
      tpu.enqueue_dma source(%dma_start3A_237 : memref<32768xf32, #tpu.memory_space<hbm>>) target(%arg5 : memref<32768xf32, #tpu.memory_space<vmem>>) target_semaphore(%run_scoped3A : memref<!tpu.dma_semaphore, #tpu.memory_space<semaphore_mem>>)
      %dma_wait3A = tpu.memref_slice %arg2[%mul3A_30] : memref<16777216xf32, #tpu.memory_space<hbm>> -> memref<32768xf32, #tpu.memory_space<hbm>>
      %dma_wait3A_238 = tpu.memref_slice %arg2[%mul3A_30] : memref<16777216xf32, #tpu.memory_space<hbm>> -> memref<32768xf32, #tpu.memory_space<hbm>>
      tpu.wait_dma2 semaphore(%run_scoped3A : memref<!tpu.dma_semaphore, #tpu.memory_space<semaphore_mem>>) src(%dma_wait3A_238 : memref<32768xf32, #tpu.memory_space<hbm>>) dst(%arg5 : memref<32768xf32, #tpu.memory_space<vmem>>)
      tpu.yield
    }) : () -> ()
    "tpu.region"() ({
      %run_scoped3A = tpu.sem_alloc : memref<!tpu.dma_semaphore, #tpu.memory_space<semaphore_mem>>
      %dma_start3A = tpu.memref_slice %arg3[%mul3A_34] : memref<4194304xf32, #tpu.memory_space<hbm>> -> memref<32768xf32, #tpu.memory_space<hbm>>
      %dma_start3A_237 = tpu.memref_slice %arg3[%mul3A_34] : memref<4194304xf32, #tpu.memory_space<hbm>> -> memref<32768xf32, #tpu.memory_space<hbm>>
      tpu.enqueue_dma source(%dma_start3A_237 : memref<32768xf32, #tpu.memory_space<hbm>>) target(%arg6 : memref<32768xf32, #tpu.memory_space<vmem>>) target_semaphore(%run_scoped3A : memref<!tpu.dma_semaphore, #tpu.memory_space<semaphore_mem>>)
      %dma_wait3A = tpu.memref_slice %arg3[%mul3A_34] : memref<4194304xf32, #tpu.memory_space<hbm>> -> memref<32768xf32, #tpu.memory_space<hbm>>
      %dma_wait3A_238 = tpu.memref_slice %arg3[%mul3A_34] : memref<4194304xf32, #tpu.memory_space<hbm>> -> memref<32768xf32, #tpu.memory_space<hbm>>
      tpu.wait_dma2 semaphore(%run_scoped3A : memref<!tpu.dma_semaphore, #tpu.memory_space<semaphore_mem>>) src(%dma_wait3A_238 : memref<32768xf32, #tpu.memory_space<hbm>>) dst(%arg6 : memref<32768xf32, #tpu.memory_space<vmem>>)
      tpu.yield
    }) : () -> ()
    %scan3A_35 = arith.constant 0 : i32
    %scan3A_36 = arith.constant 0 : i32
    %scan3A_37 = arith.constant 2048 : i32
    %scan3A_38 = arith.addi %scan3A_36, %scan3A_37 : i32
    %scan3A_39 = arith.constant 1 : i32
    scf.for %scan3A_237 = %scan3A_36 to %scan3A_38 step %scan3A_39  : i32 {
      %mul3A_238 = arith.constant 16 : i32
      %mul3A_239 = arith.muli %scan3A_237, %mul3A_238 : i32
      %get3A = arith.index_cast %mul3A_239 : i32 to index
      %get3A_240 = tpu.vector_load %arg5[%get3A] {strides = array<i32>} : memref<32768xf32, #tpu.memory_space<vmem>>, vector<16xf32>,
      %get3A_241 = vector.shape_cast %get3A_240 : vector<16xf32> to vector<16xf32>
      %get3A_242 = arith.index_cast %mul3A_239 : i32 to index
      %get3A_243 = tpu.vector_load %arg6[%get3A_242] {strides = array<i32>} : memref<32768xf32, #tpu.memory_space<vmem>>, vector<16xf32>,
      %get3A_244 = vector.shape_cast %get3A_243 : vector<16xf32> to vector<16xf32>
      %add3A_245 = arith.addf %get3A_241, %get3A_244 : vector<16xf32>
      %swap3A = arith.index_cast %mul3A_239 : i32 to index
      %swap3A_246 = tpu.vector_load %arg5[%swap3A] {strides = array<i32>} : memref<32768xf32, #tpu.memory_space<vmem>>, vector<16xf32>,
      %swap3A_247 = vector.shape_cast %swap3A_246 : vector<16xf32> to vector<16xf32>
      %swap3A_248 = vector.shape_cast %add3A_245 : vector<16xf32> to vector<16xf32>
      tpu.vector_store %arg5[%swap3A], %swap3A_248 {strides = array<i32>} : memref<32768xf32, #tpu.memory_space<vmem>>, vector<16xf32>,
    }
    %scan3A_40 = arith.constant 2048 : i32
    "tpu.region"() ({
      %run_scoped3A = tpu.sem_alloc : memref<!tpu.dma_semaphore, #tpu.memory_space<semaphore_mem>>
      %dma_start3A = tpu.memref_slice %arg4[%mul3A_30] : memref<16777216xf32, #tpu.memory_space<hbm>> -> memref<32768xf32, #tpu.memory_space<hbm>>
      %dma_start3A_237 = tpu.memref_slice %arg4[%mul3A_30] : memref<16777216xf32, #tpu.memory_space<hbm>> -> memref<32768xf32, #tpu.memory_space<hbm>>
      tpu.enqueue_dma source(%arg5 : memref<32768xf32, #tpu.memory_space<vmem>>) target(%dma_start3A_237 : memref<32768xf32, #tpu.memory_space<hbm>>) target_semaphore(%run_scoped3A : memref<!tpu.dma_semaphore, #tpu.memory_space<semaphore_mem>>)
      %dma_wait3A = tpu.memref_slice %arg4[%mul3A_30] : memref<16777216xf32, #tpu.memory_space<hbm>> -> memref<32768xf32, #tpu.memory_space<hbm>>
      %dma_wait3A_238 = tpu.memref_slice %arg4[%mul3A_30] : memref<16777216xf32, #tpu.memory_space<hbm>> -> memref<32768xf32, #tpu.memory_space<hbm>>
      tpu.wait_dma2 semaphore(%run_scoped3A : memref<!tpu.dma_semaphore, #tpu.memory_space<semaphore_mem>>) src(%arg5 : memref<32768xf32, #tpu.memory_space<vmem>>) dst(%dma_wait3A_238 : memref<32768xf32, #tpu.memory_space<hbm>>)
      tpu.yield
    }) : () -> ()
    %add3A_41 = arith.constant 64 : i32
    %add3A_42 = arith.addi %mul3A_2, %add3A_41 : i32
    %mul3A_43 = arith.constant 1024 : i32
    %mul3A_44 = arith.muli %add3A_42, %mul3A_43 : i32
    %add3A_45 = arith.constant 64 : i32
    %add3A_46 = arith.addi %mul3A_13, %add3A_45 : i32
    %mul3A_47 = arith.constant 1024 : i32
    %mul3A_48 = arith.muli %add3A_46, %mul3A_47 : i32
    "tpu.region"() ({
      %run_scoped3A = tpu.sem_alloc : memref<!tpu.dma_semaphore, #tpu.memory_space<semaphore_mem>>
      %dma_start3A = tpu.memref_slice %arg2[%mul3A_44] : memref<16777216xf32, #tpu.memory_space<hbm>> -> memref<32768xf32, #tpu.memory_space<hbm>>
      %dma_start3A_237 = tpu.memref_slice %arg2[%mul3A_44] : memref<16777216xf32, #tpu.memory_space<hbm>> -> memref<32768xf32, #tpu.memory_space<hbm>>
      tpu.enqueue_dma source(%dma_start3A_237 : memref<32768xf32, #tpu.memory_space<hbm>>) target(%arg5 : memref<32768xf32, #tpu.memory_space<vmem>>) target_semaphore(%run_scoped3A : memref<!tpu.dma_semaphore, #tpu.memory_space<semaphore_mem>>)
      %dma_wait3A = tpu.memref_slice %arg2[%mul3A_44] : memref<16777216xf32, #tpu.memory_space<hbm>> -> memref<32768xf32, #tpu.memory_space<hbm>>
      %dma_wait3A_238 = tpu.memref_slice %arg2[%mul3A_44] : memref<16777216xf32, #tpu.memory_space<hbm>> -> memref<32768xf32, #tpu.memory_space<hbm>>
      tpu.wait_dma2 semaphore(%run_scoped3A : memref<!tpu.dma_semaphore, #tpu.memory_space<semaphore_mem>>) src(%dma_wait3A_238 : memref<32768xf32, #tpu.memory_space<hbm>>) dst(%arg5 : memref<32768xf32, #tpu.memory_space<vmem>>)
      tpu.yield
    }) : () -> ()
    "tpu.region"() ({
      %run_scoped3A = tpu.sem_alloc : memref<!tpu.dma_semaphore, #tpu.memory_space<semaphore_mem>>
      %dma_start3A = tpu.memref_slice %arg3[%mul3A_48] : memref<4194304xf32, #tpu.memory_space<hbm>> -> memref<32768xf32, #tpu.memory_space<hbm>>
      %dma_start3A_237 = tpu.memref_slice %arg3[%mul3A_48] : memref<4194304xf32, #tpu.memory_space<hbm>> -> memref<32768xf32, #tpu.memory_space<hbm>>
      tpu.enqueue_dma source(%dma_start3A_237 : memref<32768xf32, #tpu.memory_space<hbm>>) target(%arg6 : memref<32768xf32, #tpu.memory_space<vmem>>) target_semaphore(%run_scoped3A : memref<!tpu.dma_semaphore, #tpu.memory_space<semaphore_mem>>)
      %dma_wait3A = tpu.memref_slice %arg3[%mul3A_48] : memref<4194304xf32, #tpu.memory_space<hbm>> -> memref<32768xf32, #tpu.memory_space<hbm>>
      %dma_wait3A_238 = tpu.memref_slice %arg3[%mul3A_48] : memref<4194304xf32, #tpu.memory_space<hbm>> -> memref<32768xf32, #tpu.memory_space<hbm>>
      tpu.wait_dma2 semaphore(%run_scoped3A : memref<!tpu.dma_semaphore, #tpu.memory_space<semaphore_mem>>) src(%dma_wait3A_238 : memref<32768xf32, #tpu.memory_space<hbm>>) dst(%arg6 : memref<32768xf32, #tpu.memory_space<vmem>>)
      tpu.yield
    }) : () -> ()
    %scan3A_49 = arith.constant 0 : i32
    %scan3A_50 = arith.constant 0 : i32
    %scan3A_51 = arith.constant 2048 : i32
    %scan3A_52 = arith.addi %scan3A_50, %scan3A_51 : i32
    %scan3A_53 = arith.constant 1 : i32
    scf.for %scan3A_237 = %scan3A_50 to %scan3A_52 step %scan3A_53  : i32 {
      %mul3A_238 = arith.constant 16 : i32
      %mul3A_239 = arith.muli %scan3A_237, %mul3A_238 : i32
      %get3A = arith.index_cast %mul3A_239 : i32 to index
      %get3A_240 = tpu.vector_load %arg5[%get3A] {strides = array<i32>} : memref<32768xf32, #tpu.memory_space<vmem>>, vector<16xf32>,
      %get3A_241 = vector.shape_cast %get3A_240 : vector<16xf32> to vector<16xf32>
      %get3A_242 = arith.index_cast %mul3A_239 : i32 to index
      %get3A_243 = tpu.vector_load %arg6[%get3A_242] {strides = array<i32>} : memref<32768xf32, #tpu.memory_space<vmem>>, vector<16xf32>,
      %get3A_244 = vector.shape_cast %get3A_243 : vector<16xf32> to vector<16xf32>
      %add3A_245 = arith.addf %get3A_241, %get3A_244 : vector<16xf32>
      %swap3A = arith.index_cast %mul3A_239 : i32 to index
      %swap3A_246 = tpu.vector_load %arg5[%swap3A] {strides = array<i32>} : memref<32768xf32, #tpu.memory_space<vmem>>, vector<16xf32>,
      %swap3A_247 = vector.shape_cast %swap3A_246 : vector<16xf32> to vector<16xf32>
      %swap3A_248 = vector.shape_cast %add3A_245 : vector<16xf32> to vector<16xf32>
      tpu.vector_store %arg5[%swap3A], %swap3A_248 {strides = array<i32>} : memref<32768xf32, #tpu.memory_space<vmem>>, vector<16xf32>,
    }
    %scan3A_54 = arith.constant 2048 : i32
    "tpu.region"() ({
      %run_scoped3A = tpu.sem_alloc : memref<!tpu.dma_semaphore, #tpu.memory_space<semaphore_mem>>
      %dma_start3A = tpu.memref_slice %arg4[%mul3A_44] : memref<16777216xf32, #tpu.memory_space<hbm>> -> memref<32768xf32, #tpu.memory_space<hbm>>
      %dma_start3A_237 = tpu.memref_slice %arg4[%mul3A_44] : memref<16777216xf32, #tpu.memory_space<hbm>> -> memref<32768xf32, #tpu.memory_space<hbm>>
      tpu.enqueue_dma source(%arg5 : memref<32768xf32, #tpu.memory_space<vmem>>) target(%dma_start3A_237 : memref<32768xf32, #tpu.memory_space<hbm>>) target_semaphore(%run_scoped3A : memref<!tpu.dma_semaphore, #tpu.memory_space<semaphore_mem>>)
      %dma_wait3A = tpu.memref_slice %arg4[%mul3A_44] : memref<16777216xf32, #tpu.memory_space<hbm>> -> memref<32768xf32, #tpu.memory_space<hbm>>
      %dma_wait3A_238 = tpu.memref_slice %arg4[%mul3A_44] : memref<16777216xf32, #tpu.memory_space<hbm>> -> memref<32768xf32, #tpu.memory_space<hbm>>
      tpu.wait_dma2 semaphore(%run_scoped3A : memref<!tpu.dma_semaphore, #tpu.memory_space<semaphore_mem>>) src(%arg5 : memref<32768xf32, #tpu.memory_space<vmem>>) dst(%dma_wait3A_238 : memref<32768xf32, #tpu.memory_space<hbm>>)
      tpu.yield
    }) : () -> ()
    %add3A_55 = arith.constant 96 : i32
    %add3A_56 = arith.addi %mul3A_2, %add3A_55 : i32
    %mul3A_57 = arith.constant 1024 : i32
    %mul3A_58 = arith.muli %add3A_56, %mul3A_57 : i32
    %add3A_59 = arith.constant 96 : i32
    %add3A_60 = arith.addi %mul3A_13, %add3A_59 : i32
    %mul3A_61 = arith.constant 1024 : i32
    %mul3A_62 = arith.muli %add3A_60, %mul3A_61 : i32
    "tpu.region"() ({
      %run_scoped3A = tpu.sem_alloc : memref<!tpu.dma_semaphore, #tpu.memory_space<semaphore_mem>>
      %dma_start3A = tpu.memref_slice %arg2[%mul3A_58] : memref<16777216xf32, #tpu.memory_space<hbm>> -> memref<32768xf32, #tpu.memory_space<hbm>>
      %dma_start3A_237 = tpu.memref_slice %arg2[%mul3A_58] : memref<16777216xf32, #tpu.memory_space<hbm>> -> memref<32768xf32, #tpu.memory_space<hbm>>
      tpu.enqueue_dma source(%dma_start3A_237 : memref<32768xf32, #tpu.memory_space<hbm>>) target(%arg5 : memref<32768xf32, #tpu.memory_space<vmem>>) target_semaphore(%run_scoped3A : memref<!tpu.dma_semaphore, #tpu.memory_space<semaphore_mem>>)
      %dma_wait3A = tpu.memref_slice %arg2[%mul3A_58] : memref<16777216xf32, #tpu.memory_space<hbm>> -> memref<32768xf32, #tpu.memory_space<hbm>>
      %dma_wait3A_238 = tpu.memref_slice %arg2[%mul3A_58] : memref<16777216xf32, #tpu.memory_space<hbm>> -> memref<32768xf32, #tpu.memory_space<hbm>>
      tpu.wait_dma2 semaphore(%run_scoped3A : memref<!tpu.dma_semaphore, #tpu.memory_space<semaphore_mem>>) src(%dma_wait3A_238 : memref<32768xf32, #tpu.memory_space<hbm>>) dst(%arg5 : memref<32768xf32, #tpu.memory_space<vmem>>)
      tpu.yield
    }) : () -> ()
    "tpu.region"() ({
      %run_scoped3A = tpu.sem_alloc : memref<!tpu.dma_semaphore, #tpu.memory_space<semaphore_mem>>
      %dma_start3A = tpu.memref_slice %arg3[%mul3A_62] : memref<4194304xf32, #tpu.memory_space<hbm>> -> memref<32768xf32, #tpu.memory_space<hbm>>
      %dma_start3A_237 = tpu.memref_slice %arg3[%mul3A_62] : memref<4194304xf32, #tpu.memory_space<hbm>> -> memref<32768xf32, #tpu.memory_space<hbm>>
      tpu.enqueue_dma source(%dma_start3A_237 : memref<32768xf32, #tpu.memory_space<hbm>>) target(%arg6 : memref<32768xf32, #tpu.memory_space<vmem>>) target_semaphore(%run_scoped3A : memref<!tpu.dma_semaphore, #tpu.memory_space<semaphore_mem>>)
      %dma_wait3A = tpu.memref_slice %arg3[%mul3A_62] : memref<4194304xf32, #tpu.memory_space<hbm>> -> memref<32768xf32, #tpu.memory_space<hbm>>
      %dma_wait3A_238 = tpu.memref_slice %arg3[%mul3A_62] : memref<4194304xf32, #tpu.memory_space<hbm>> -> memref<32768xf32, #tpu.memory_space<hbm>>
      tpu.wait_dma2 semaphore(%run_scoped3A : memref<!tpu.dma_semaphore, #tpu.memory_space<semaphore_mem>>) src(%dma_wait3A_238 : memref<32768xf32, #tpu.memory_space<hbm>>) dst(%arg6 : memref<32768xf32, #tpu.memory_space<vmem>>)
      tpu.yield
    }) : () -> ()
    %scan3A_63 = arith.constant 0 : i32
    %scan3A_64 = arith.constant 0 : i32
    %scan3A_65 = arith.constant 2048 : i32
    %scan3A_66 = arith.addi %scan3A_64, %scan3A_65 : i32
    %scan3A_67 = arith.constant 1 : i32
    scf.for %scan3A_237 = %scan3A_64 to %scan3A_66 step %scan3A_67  : i32 {
      %mul3A_238 = arith.constant 16 : i32
      %mul3A_239 = arith.muli %scan3A_237, %mul3A_238 : i32
      %get3A = arith.index_cast %mul3A_239 : i32 to index
      %get3A_240 = tpu.vector_load %arg5[%get3A] {strides = array<i32>} : memref<32768xf32, #tpu.memory_space<vmem>>, vector<16xf32>,
      %get3A_241 = vector.shape_cast %get3A_240 : vector<16xf32> to vector<16xf32>
      %get3A_242 = arith.index_cast %mul3A_239 : i32 to index
      %get3A_243 = tpu.vector_load %arg6[%get3A_242] {strides = array<i32>} : memref<32768xf32, #tpu.memory_space<vmem>>, vector<16xf32>,
      %get3A_244 = vector.shape_cast %get3A_243 : vector<16xf32> to vector<16xf32>
      %add3A_245 = arith.addf %get3A_241, %get3A_244 : vector<16xf32>
      %swap3A = arith.index_cast %mul3A_239 : i32 to index
      %swap3A_246 = tpu.vector_load %arg5[%swap3A] {strides = array<i32>} : memref<32768xf32, #tpu.memory_space<vmem>>, vector<16xf32>,
      %swap3A_247 = vector.shape_cast %swap3A_246 : vector<16xf32> to vector<16xf32>
      %swap3A_248 = vector.shape_cast %add3A_245 : vector<16xf32> to vector<16xf32>
      tpu.vector_store %arg5[%swap3A], %swap3A_248 {strides = array<i32>} : memref<32768xf32, #tpu.memory_space<vmem>>, vector<16xf32>,
    }
    %scan3A_68 = arith.constant 2048 : i32
    "tpu.region"() ({
      %run_scoped3A = tpu.sem_alloc : memref<!tpu.dma_semaphore, #tpu.memory_space<semaphore_mem>>
      %dma_start3A = tpu.memref_slice %arg4[%mul3A_58] : memref<16777216xf32, #tpu.memory_space<hbm>> -> memref<32768xf32, #tpu.memory_space<hbm>>
      %dma_start3A_237 = tpu.memref_slice %arg4[%mul3A_58] : memref<16777216xf32, #tpu.memory_space<hbm>> -> memref<32768xf32, #tpu.memory_space<hbm>>
      tpu.enqueue_dma source(%arg5 : memref<32768xf32, #tpu.memory_space<vmem>>) target(%dma_start3A_237 : memref<32768xf32, #tpu.memory_space<hbm>>) target_semaphore(%run_scoped3A : memref<!tpu.dma_semaphore, #tpu.memory_space<semaphore_mem>>)
      %dma_wait3A = tpu.memref_slice %arg4[%mul3A_58] : memref<16777216xf32, #tpu.memory_space<hbm>> -> memref<32768xf32, #tpu.memory_space<hbm>>
      %dma_wait3A_238 = tpu.memref_slice %arg4[%mul3A_58] : memref<16777216xf32, #tpu.memory_space<hbm>> -> memref<32768xf32, #tpu.memory_space<hbm>>
      tpu.wait_dma2 semaphore(%run_scoped3A : memref<!tpu.dma_semaphore, #tpu.memory_space<semaphore_mem>>) src(%arg5 : memref<32768xf32, #tpu.memory_space<vmem>>) dst(%dma_wait3A_238 : memref<32768xf32, #tpu.memory_space<hbm>>)
      tpu.yield
    }) : () -> ()
    %add3A_69 = arith.constant 128 : i32
    %add3A_70 = arith.addi %mul3A_2, %add3A_69 : i32
    %mul3A_71 = arith.constant 1024 : i32
    %mul3A_72 = arith.muli %add3A_70, %mul3A_71 : i32
    %add3A_73 = arith.constant 128 : i32
    %add3A_74 = arith.addi %mul3A_13, %add3A_73 : i32
    %mul3A_75 = arith.constant 1024 : i32
    %mul3A_76 = arith.muli %add3A_74, %mul3A_75 : i32
    "tpu.region"() ({
      %run_scoped3A = tpu.sem_alloc : memref<!tpu.dma_semaphore, #tpu.memory_space<semaphore_mem>>
      %dma_start3A = tpu.memref_slice %arg2[%mul3A_72] : memref<16777216xf32, #tpu.memory_space<hbm>> -> memref<32768xf32, #tpu.memory_space<hbm>>
      %dma_start3A_237 = tpu.memref_slice %arg2[%mul3A_72] : memref<16777216xf32, #tpu.memory_space<hbm>> -> memref<32768xf32, #tpu.memory_space<hbm>>
      tpu.enqueue_dma source(%dma_start3A_237 : memref<32768xf32, #tpu.memory_space<hbm>>) target(%arg5 : memref<32768xf32, #tpu.memory_space<vmem>>) target_semaphore(%run_scoped3A : memref<!tpu.dma_semaphore, #tpu.memory_space<semaphore_mem>>)
      %dma_wait3A = tpu.memref_slice %arg2[%mul3A_72] : memref<16777216xf32, #tpu.memory_space<hbm>> -> memref<32768xf32, #tpu.memory_space<hbm>>
      %dma_wait3A_238 = tpu.memref_slice %arg2[%mul3A_72] : memref<16777216xf32, #tpu.memory_space<hbm>> -> memref<32768xf32, #tpu.memory_space<hbm>>
      tpu.wait_dma2 semaphore(%run_scoped3A : memref<!tpu.dma_semaphore, #tpu.memory_space<semaphore_mem>>) src(%dma_wait3A_238 : memref<32768xf32, #tpu.memory_space<hbm>>) dst(%arg5 : memref<32768xf32, #tpu.memory_space<vmem>>)
      tpu.yield
    }) : () -> ()
    "tpu.region"() ({
      %run_scoped3A = tpu.sem_alloc : memref<!tpu.dma_semaphore, #tpu.memory_space<semaphore_mem>>
      %dma_start3A = tpu.memref_slice %arg3[%mul3A_76] : memref<4194304xf32, #tpu.memory_space<hbm>> -> memref<32768xf32, #tpu.memory_space<hbm>>
      %dma_start3A_237 = tpu.memref_slice %arg3[%mul3A_76] : memref<4194304xf32, #tpu.memory_space<hbm>> -> memref<32768xf32, #tpu.memory_space<hbm>>
      tpu.enqueue_dma source(%dma_start3A_237 : memref<32768xf32, #tpu.memory_space<hbm>>) target(%arg6 : memref<32768xf32, #tpu.memory_space<vmem>>) target_semaphore(%run_scoped3A : memref<!tpu.dma_semaphore, #tpu.memory_space<semaphore_mem>>)
      %dma_wait3A = tpu.memref_slice %arg3[%mul3A_76] : memref<4194304xf32, #tpu.memory_space<hbm>> -> memref<32768xf32, #tpu.memory_space<hbm>>
      %dma_wait3A_238 = tpu.memref_slice %arg3[%mul3A_76] : memref<4194304xf32, #tpu.memory_space<hbm>> -> memref<32768xf32, #tpu.memory_space<hbm>>
      tpu.wait_dma2 semaphore(%run_scoped3A : memref<!tpu.dma_semaphore, #tpu.memory_space<semaphore_mem>>) src(%dma_wait3A_238 : memref<32768xf32, #tpu.memory_space<hbm>>) dst(%arg6 : memref<32768xf32, #tpu.memory_space<vmem>>)
      tpu.yield
    }) : () -> ()
    %scan3A_77 = arith.constant 0 : i32
    %scan3A_78 = arith.constant 0 : i32
    %scan3A_79 = arith.constant 2048 : i32
    %scan3A_80 = arith.addi %scan3A_78, %scan3A_79 : i32
    %scan3A_81 = arith.constant 1 : i32
    scf.for %scan3A_237 = %scan3A_78 to %scan3A_80 step %scan3A_81  : i32 {
      %mul3A_238 = arith.constant 16 : i32
      %mul3A_239 = arith.muli %scan3A_237, %mul3A_238 : i32
      %get3A = arith.index_cast %mul3A_239 : i32 to index
      %get3A_240 = tpu.vector_load %arg5[%get3A] {strides = array<i32>} : memref<32768xf32, #tpu.memory_space<vmem>>, vector<16xf32>,
      %get3A_241 = vector.shape_cast %get3A_240 : vector<16xf32> to vector<16xf32>
      %get3A_242 = arith.index_cast %mul3A_239 : i32 to index
      %get3A_243 = tpu.vector_load %arg6[%get3A_242] {strides = array<i32>} : memref<32768xf32, #tpu.memory_space<vmem>>, vector<16xf32>,
      %get3A_244 = vector.shape_cast %get3A_243 : vector<16xf32> to vector<16xf32>
      %add3A_245 = arith.addf %get3A_241, %get3A_244 : vector<16xf32>
      %swap3A = arith.index_cast %mul3A_239 : i32 to index
      %swap3A_246 = tpu.vector_load %arg5[%swap3A] {strides = array<i32>} : memref<32768xf32, #tpu.memory_space<vmem>>, vector<16xf32>,
      %swap3A_247 = vector.shape_cast %swap3A_246 : vector<16xf32> to vector<16xf32>
      %swap3A_248 = vector.shape_cast %add3A_245 : vector<16xf32> to vector<16xf32>
      tpu.vector_store %arg5[%swap3A], %swap3A_248 {strides = array<i32>} : memref<32768xf32, #tpu.memory_space<vmem>>, vector<16xf32>,
    }
    %scan3A_82 = arith.constant 2048 : i32
    "tpu.region"() ({
      %run_scoped3A = tpu.sem_alloc : memref<!tpu.dma_semaphore, #tpu.memory_space<semaphore_mem>>
      %dma_start3A = tpu.memref_slice %arg4[%mul3A_72] : memref<16777216xf32, #tpu.memory_space<hbm>> -> memref<32768xf32, #tpu.memory_space<hbm>>
      %dma_start3A_237 = tpu.memref_slice %arg4[%mul3A_72] : memref<16777216xf32, #tpu.memory_space<hbm>> -> memref<32768xf32, #tpu.memory_space<hbm>>
      tpu.enqueue_dma source(%arg5 : memref<32768xf32, #tpu.memory_space<vmem>>) target(%dma_start3A_237 : memref<32768xf32, #tpu.memory_space<hbm>>) target_semaphore(%run_scoped3A : memref<!tpu.dma_semaphore, #tpu.memory_space<semaphore_mem>>)
      %dma_wait3A = tpu.memref_slice %arg4[%mul3A_72] : memref<16777216xf32, #tpu.memory_space<hbm>> -> memref<32768xf32, #tpu.memory_space<hbm>>
      %dma_wait3A_238 = tpu.memref_slice %arg4[%mul3A_72] : memref<16777216xf32, #tpu.memory_space<hbm>> -> memref<32768xf32, #tpu.memory_space<hbm>>
      tpu.wait_dma2 semaphore(%run_scoped3A : memref<!tpu.dma_semaphore, #tpu.memory_space<semaphore_mem>>) src(%arg5 : memref<32768xf32, #tpu.memory_space<vmem>>) dst(%dma_wait3A_238 : memref<32768xf32, #tpu.memory_space<hbm>>)
      tpu.yield
    }) : () -> ()
    %add3A_83 = arith.constant 160 : i32
    %add3A_84 = arith.addi %mul3A_2, %add3A_83 : i32
    %mul3A_85 = arith.constant 1024 : i32
    %mul3A_86 = arith.muli %add3A_84, %mul3A_85 : i32
    %add3A_87 = arith.constant 160 : i32
    %add3A_88 = arith.addi %mul3A_13, %add3A_87 : i32
    %mul3A_89 = arith.constant 1024 : i32
    %mul3A_90 = arith.muli %add3A_88, %mul3A_89 : i32
    "tpu.region"() ({
      %run_scoped3A = tpu.sem_alloc : memref<!tpu.dma_semaphore, #tpu.memory_space<semaphore_mem>>
      %dma_start3A = tpu.memref_slice %arg2[%mul3A_86] : memref<16777216xf32, #tpu.memory_space<hbm>> -> memref<32768xf32, #tpu.memory_space<hbm>>
      %dma_start3A_237 = tpu.memref_slice %arg2[%mul3A_86] : memref<16777216xf32, #tpu.memory_space<hbm>> -> memref<32768xf32, #tpu.memory_space<hbm>>
      tpu.enqueue_dma source(%dma_start3A_237 : memref<32768xf32, #tpu.memory_space<hbm>>) target(%arg5 : memref<32768xf32, #tpu.memory_space<vmem>>) target_semaphore(%run_scoped3A : memref<!tpu.dma_semaphore, #tpu.memory_space<semaphore_mem>>)
      %dma_wait3A = tpu.memref_slice %arg2[%mul3A_86] : memref<16777216xf32, #tpu.memory_space<hbm>> -> memref<32768xf32, #tpu.memory_space<hbm>>
      %dma_wait3A_238 = tpu.memref_slice %arg2[%mul3A_86] : memref<16777216xf32, #tpu.memory_space<hbm>> -> memref<32768xf32, #tpu.memory_space<hbm>>
      tpu.wait_dma2 semaphore(%run_scoped3A : memref<!tpu.dma_semaphore, #tpu.memory_space<semaphore_mem>>) src(%dma_wait3A_238 : memref<32768xf32, #tpu.memory_space<hbm>>) dst(%arg5 : memref<32768xf32, #tpu.memory_space<vmem>>)
      tpu.yield
    }) : () -> ()
    "tpu.region"() ({
      %run_scoped3A = tpu.sem_alloc : memref<!tpu.dma_semaphore, #tpu.memory_space<semaphore_mem>>
      %dma_start3A = tpu.memref_slice %arg3[%mul3A_90] : memref<4194304xf32, #tpu.memory_space<hbm>> -> memref<32768xf32, #tpu.memory_space<hbm>>
      %dma_start3A_237 = tpu.memref_slice %arg3[%mul3A_90] : memref<4194304xf32, #tpu.memory_space<hbm>> -> memref<32768xf32, #tpu.memory_space<hbm>>
      tpu.enqueue_dma source(%dma_start3A_237 : memref<32768xf32, #tpu.memory_space<hbm>>) target(%arg6 : memref<32768xf32, #tpu.memory_space<vmem>>) target_semaphore(%run_scoped3A : memref<!tpu.dma_semaphore, #tpu.memory_space<semaphore_mem>>)
      %dma_wait3A = tpu.memref_slice %arg3[%mul3A_90] : memref<4194304xf32, #tpu.memory_space<hbm>> -> memref<32768xf32, #tpu.memory_space<hbm>>
      %dma_wait3A_238 = tpu.memref_slice %arg3[%mul3A_90] : memref<4194304xf32, #tpu.memory_space<hbm>> -> memref<32768xf32, #tpu.memory_space<hbm>>
      tpu.wait_dma2 semaphore(%run_scoped3A : memref<!tpu.dma_semaphore, #tpu.memory_space<semaphore_mem>>) src(%dma_wait3A_238 : memref<32768xf32, #tpu.memory_space<hbm>>) dst(%arg6 : memref<32768xf32, #tpu.memory_space<vmem>>)
      tpu.yield
    }) : () -> ()
    %scan3A_91 = arith.constant 0 : i32
    %scan3A_92 = arith.constant 0 : i32
    %scan3A_93 = arith.constant 2048 : i32
    %scan3A_94 = arith.addi %scan3A_92, %scan3A_93 : i32
    %scan3A_95 = arith.constant 1 : i32
    scf.for %scan3A_237 = %scan3A_92 to %scan3A_94 step %scan3A_95  : i32 {
      %mul3A_238 = arith.constant 16 : i32
      %mul3A_239 = arith.muli %scan3A_237, %mul3A_238 : i32
      %get3A = arith.index_cast %mul3A_239 : i32 to index
      %get3A_240 = tpu.vector_load %arg5[%get3A] {strides = array<i32>} : memref<32768xf32, #tpu.memory_space<vmem>>, vector<16xf32>,
      %get3A_241 = vector.shape_cast %get3A_240 : vector<16xf32> to vector<16xf32>
      %get3A_242 = arith.index_cast %mul3A_239 : i32 to index
      %get3A_243 = tpu.vector_load %arg6[%get3A_242] {strides = array<i32>} : memref<32768xf32, #tpu.memory_space<vmem>>, vector<16xf32>,
      %get3A_244 = vector.shape_cast %get3A_243 : vector<16xf32> to vector<16xf32>
      %add3A_245 = arith.addf %get3A_241, %get3A_244 : vector<16xf32>
      %swap3A = arith.index_cast %mul3A_239 : i32 to index
      %swap3A_246 = tpu.vector_load %arg5[%swap3A] {strides = array<i32>} : memref<32768xf32, #tpu.memory_space<vmem>>, vector<16xf32>,
      %swap3A_247 = vector.shape_cast %swap3A_246 : vector<16xf32> to vector<16xf32>
      %swap3A_248 = vector.shape_cast %add3A_245 : vector<16xf32> to vector<16xf32>
      tpu.vector_store %arg5[%swap3A], %swap3A_248 {strides = array<i32>} : memref<32768xf32, #tpu.memory_space<vmem>>, vector<16xf32>,
    }
    %scan3A_96 = arith.constant 2048 : i32
    "tpu.region"() ({
      %run_scoped3A = tpu.sem_alloc : memref<!tpu.dma_semaphore, #tpu.memory_space<semaphore_mem>>
      %dma_start3A = tpu.memref_slice %arg4[%mul3A_86] : memref<16777216xf32, #tpu.memory_space<hbm>> -> memref<32768xf32, #tpu.memory_space<hbm>>
      %dma_start3A_237 = tpu.memref_slice %arg4[%mul3A_86] : memref<16777216xf32, #tpu.memory_space<hbm>> -> memref<32768xf32, #tpu.memory_space<hbm>>
      tpu.enqueue_dma source(%arg5 : memref<32768xf32, #tpu.memory_space<vmem>>) target(%dma_start3A_237 : memref<32768xf32, #tpu.memory_space<hbm>>) target_semaphore(%run_scoped3A : memref<!tpu.dma_semaphore, #tpu.memory_space<semaphore_mem>>)
      %dma_wait3A = tpu.memref_slice %arg4[%mul3A_86] : memref<16777216xf32, #tpu.memory_space<hbm>> -> memref<32768xf32, #tpu.memory_space<hbm>>
      %dma_wait3A_238 = tpu.memref_slice %arg4[%mul3A_86] : memref<16777216xf32, #tpu.memory_space<hbm>> -> memref<32768xf32, #tpu.memory_space<hbm>>
      tpu.wait_dma2 semaphore(%run_scoped3A : memref<!tpu.dma_semaphore, #tpu.memory_space<semaphore_mem>>) src(%arg5 : memref<32768xf32, #tpu.memory_space<vmem>>) dst(%dma_wait3A_238 : memref<32768xf32, #tpu.memory_space<hbm>>)
      tpu.yield
    }) : () -> ()
    %add3A_97 = arith.constant 192 : i32
    %add3A_98 = arith.addi %mul3A_2, %add3A_97 : i32
    %mul3A_99 = arith.constant 1024 : i32
    %mul3A_100 = arith.muli %add3A_98, %mul3A_99 : i32
    %add3A_101 = arith.constant 192 : i32
    %add3A_102 = arith.addi %mul3A_13, %add3A_101 : i32
    %mul3A_103 = arith.constant 1024 : i32
    %mul3A_104 = arith.muli %add3A_102, %mul3A_103 : i32
    "tpu.region"() ({
      %run_scoped3A = tpu.sem_alloc : memref<!tpu.dma_semaphore, #tpu.memory_space<semaphore_mem>>
      %dma_start3A = tpu.memref_slice %arg2[%mul3A_100] : memref<16777216xf32, #tpu.memory_space<hbm>> -> memref<32768xf32, #tpu.memory_space<hbm>>
      %dma_start3A_237 = tpu.memref_slice %arg2[%mul3A_100] : memref<16777216xf32, #tpu.memory_space<hbm>> -> memref<32768xf32, #tpu.memory_space<hbm>>
      tpu.enqueue_dma source(%dma_start3A_237 : memref<32768xf32, #tpu.memory_space<hbm>>) target(%arg5 : memref<32768xf32, #tpu.memory_space<vmem>>) target_semaphore(%run_scoped3A : memref<!tpu.dma_semaphore, #tpu.memory_space<semaphore_mem>>)
      %dma_wait3A = tpu.memref_slice %arg2[%mul3A_100] : memref<16777216xf32, #tpu.memory_space<hbm>> -> memref<32768xf32, #tpu.memory_space<hbm>>
      %dma_wait3A_238 = tpu.memref_slice %arg2[%mul3A_100] : memref<16777216xf32, #tpu.memory_space<hbm>> -> memref<32768xf32, #tpu.memory_space<hbm>>
      tpu.wait_dma2 semaphore(%run_scoped3A : memref<!tpu.dma_semaphore, #tpu.memory_space<semaphore_mem>>) src(%dma_wait3A_238 : memref<32768xf32, #tpu.memory_space<hbm>>) dst(%arg5 : memref<32768xf32, #tpu.memory_space<vmem>>)
      tpu.yield
    }) : () -> ()
    "tpu.region"() ({
      %run_scoped3A = tpu.sem_alloc : memref<!tpu.dma_semaphore, #tpu.memory_space<semaphore_mem>>
      %dma_start3A = tpu.memref_slice %arg3[%mul3A_104] : memref<4194304xf32, #tpu.memory_space<hbm>> -> memref<32768xf32, #tpu.memory_space<hbm>>
      %dma_start3A_237 = tpu.memref_slice %arg3[%mul3A_104] : memref<4194304xf32, #tpu.memory_space<hbm>> -> memref<32768xf32, #tpu.memory_space<hbm>>
      tpu.enqueue_dma source(%dma_start3A_237 : memref<32768xf32, #tpu.memory_space<hbm>>) target(%arg6 : memref<32768xf32, #tpu.memory_space<vmem>>) target_semaphore(%run_scoped3A : memref<!tpu.dma_semaphore, #tpu.memory_space<semaphore_mem>>)
      %dma_wait3A = tpu.memref_slice %arg3[%mul3A_104] : memref<4194304xf32, #tpu.memory_space<hbm>> -> memref<32768xf32, #tpu.memory_space<hbm>>
      %dma_wait3A_238 = tpu.memref_slice %arg3[%mul3A_104] : memref<4194304xf32, #tpu.memory_space<hbm>> -> memref<32768xf32, #tpu.memory_space<hbm>>
      tpu.wait_dma2 semaphore(%run_scoped3A : memref<!tpu.dma_semaphore, #tpu.memory_space<semaphore_mem>>) src(%dma_wait3A_238 : memref<32768xf32, #tpu.memory_space<hbm>>) dst(%arg6 : memref<32768xf32, #tpu.memory_space<vmem>>)
      tpu.yield
    }) : () -> ()
    %scan3A_105 = arith.constant 0 : i32
    %scan3A_106 = arith.constant 0 : i32
    %scan3A_107 = arith.constant 2048 : i32
    %scan3A_108 = arith.addi %scan3A_106, %scan3A_107 : i32
    %scan3A_109 = arith.constant 1 : i32
    scf.for %scan3A_237 = %scan3A_106 to %scan3A_108 step %scan3A_109  : i32 {
      %mul3A_238 = arith.constant 16 : i32
      %mul3A_239 = arith.muli %scan3A_237, %mul3A_238 : i32
      %get3A = arith.index_cast %mul3A_239 : i32 to index
      %get3A_240 = tpu.vector_load %arg5[%get3A] {strides = array<i32>} : memref<32768xf32, #tpu.memory_space<vmem>>, vector<16xf32>,
      %get3A_241 = vector.shape_cast %get3A_240 : vector<16xf32> to vector<16xf32>
      %get3A_242 = arith.index_cast %mul3A_239 : i32 to index
      %get3A_243 = tpu.vector_load %arg6[%get3A_242] {strides = array<i32>} : memref<32768xf32, #tpu.memory_space<vmem>>, vector<16xf32>,
      %get3A_244 = vector.shape_cast %get3A_243 : vector<16xf32> to vector<16xf32>
      %add3A_245 = arith.addf %get3A_241, %get3A_244 : vector<16xf32>
      %swap3A = arith.index_cast %mul3A_239 : i32 to index
      %swap3A_246 = tpu.vector_load %arg5[%swap3A] {strides = array<i32>} : memref<32768xf32, #tpu.memory_space<vmem>>, vector<16xf32>,
      %swap3A_247 = vector.shape_cast %swap3A_246 : vector<16xf32> to vector<16xf32>
      %swap3A_248 = vector.shape_cast %add3A_245 : vector<16xf32> to vector<16xf32>
      tpu.vector_store %arg5[%swap3A], %swap3A_248 {strides = array<i32>} : memref<32768xf32, #tpu.memory_space<vmem>>, vector<16xf32>,
    }
    %scan3A_110 = arith.constant 2048 : i32
    "tpu.region"() ({
      %run_scoped3A = tpu.sem_alloc : memref<!tpu.dma_semaphore, #tpu.memory_space<semaphore_mem>>
      %dma_start3A = tpu.memref_slice %arg4[%mul3A_100] : memref<16777216xf32, #tpu.memory_space<hbm>> -> memref<32768xf32, #tpu.memory_space<hbm>>
      %dma_start3A_237 = tpu.memref_slice %arg4[%mul3A_100] : memref<16777216xf32, #tpu.memory_space<hbm>> -> memref<32768xf32, #tpu.memory_space<hbm>>
      tpu.enqueue_dma source(%arg5 : memref<32768xf32, #tpu.memory_space<vmem>>) target(%dma_start3A_237 : memref<32768xf32, #tpu.memory_space<hbm>>) target_semaphore(%run_scoped3A : memref<!tpu.dma_semaphore, #tpu.memory_space<semaphore_mem>>)
      %dma_wait3A = tpu.memref_slice %arg4[%mul3A_100] : memref<16777216xf32, #tpu.memory_space<hbm>> -> memref<32768xf32, #tpu.memory_space<hbm>>
      %dma_wait3A_238 = tpu.memref_slice %arg4[%mul3A_100] : memref<16777216xf32, #tpu.memory_space<hbm>> -> memref<32768xf32, #tpu.memory_space<hbm>>
      tpu.wait_dma2 semaphore(%run_scoped3A : memref<!tpu.dma_semaphore, #tpu.memory_space<semaphore_mem>>) src(%arg5 : memref<32768xf32, #tpu.memory_space<vmem>>) dst(%dma_wait3A_238 : memref<32768xf32, #tpu.memory_space<hbm>>)
      tpu.yield
    }) : () -> ()
    %add3A_111 = arith.constant 224 : i32
    %add3A_112 = arith.addi %mul3A_2, %add3A_111 : i32
    %mul3A_113 = arith.constant 1024 : i32
    %mul3A_114 = arith.muli %add3A_112, %mul3A_113 : i32
    %add3A_115 = arith.constant 224 : i32
    %add3A_116 = arith.addi %mul3A_13, %add3A_115 : i32
    %mul3A_117 = arith.constant 1024 : i32
    %mul3A_118 = arith.muli %add3A_116, %mul3A_117 : i32
    "tpu.region"() ({
      %run_scoped3A = tpu.sem_alloc : memref<!tpu.dma_semaphore, #tpu.memory_space<semaphore_mem>>
      %dma_start3A = tpu.memref_slice %arg2[%mul3A_114] : memref<16777216xf32, #tpu.memory_space<hbm>> -> memref<32768xf32, #tpu.memory_space<hbm>>
      %dma_start3A_237 = tpu.memref_slice %arg2[%mul3A_114] : memref<16777216xf32, #tpu.memory_space<hbm>> -> memref<32768xf32, #tpu.memory_space<hbm>>
      tpu.enqueue_dma source(%dma_start3A_237 : memref<32768xf32, #tpu.memory_space<hbm>>) target(%arg5 : memref<32768xf32, #tpu.memory_space<vmem>>) target_semaphore(%run_scoped3A : memref<!tpu.dma_semaphore, #tpu.memory_space<semaphore_mem>>)
      %dma_wait3A = tpu.memref_slice %arg2[%mul3A_114] : memref<16777216xf32, #tpu.memory_space<hbm>> -> memref<32768xf32, #tpu.memory_space<hbm>>
      %dma_wait3A_238 = tpu.memref_slice %arg2[%mul3A_114] : memref<16777216xf32, #tpu.memory_space<hbm>> -> memref<32768xf32, #tpu.memory_space<hbm>>
      tpu.wait_dma2 semaphore(%run_scoped3A : memref<!tpu.dma_semaphore, #tpu.memory_space<semaphore_mem>>) src(%dma_wait3A_238 : memref<32768xf32, #tpu.memory_space<hbm>>) dst(%arg5 : memref<32768xf32, #tpu.memory_space<vmem>>)
      tpu.yield
    }) : () -> ()
    "tpu.region"() ({
      %run_scoped3A = tpu.sem_alloc : memref<!tpu.dma_semaphore, #tpu.memory_space<semaphore_mem>>
      %dma_start3A = tpu.memref_slice %arg3[%mul3A_118] : memref<4194304xf32, #tpu.memory_space<hbm>> -> memref<32768xf32, #tpu.memory_space<hbm>>
      %dma_start3A_237 = tpu.memref_slice %arg3[%mul3A_118] : memref<4194304xf32, #tpu.memory_space<hbm>> -> memref<32768xf32, #tpu.memory_space<hbm>>
      tpu.enqueue_dma source(%dma_start3A_237 : memref<32768xf32, #tpu.memory_space<hbm>>) target(%arg6 : memref<32768xf32, #tpu.memory_space<vmem>>) target_semaphore(%run_scoped3A : memref<!tpu.dma_semaphore, #tpu.memory_space<semaphore_mem>>)
      %dma_wait3A = tpu.memref_slice %arg3[%mul3A_118] : memref<4194304xf32, #tpu.memory_space<hbm>> -> memref<32768xf32, #tpu.memory_space<hbm>>
      %dma_wait3A_238 = tpu.memref_slice %arg3[%mul3A_118] : memref<4194304xf32, #tpu.memory_space<hbm>> -> memref<32768xf32, #tpu.memory_space<hbm>>
      tpu.wait_dma2 semaphore(%run_scoped3A : memref<!tpu.dma_semaphore, #tpu.memory_space<semaphore_mem>>) src(%dma_wait3A_238 : memref<32768xf32, #tpu.memory_space<hbm>>) dst(%arg6 : memref<32768xf32, #tpu.memory_space<vmem>>)
      tpu.yield
    }) : () -> ()
    %scan3A_119 = arith.constant 0 : i32
    %scan3A_120 = arith.constant 0 : i32
    %scan3A_121 = arith.constant 2048 : i32
    %scan3A_122 = arith.addi %scan3A_120, %scan3A_121 : i32
    %scan3A_123 = arith.constant 1 : i32
    scf.for %scan3A_237 = %scan3A_120 to %scan3A_122 step %scan3A_123  : i32 {
      %mul3A_238 = arith.constant 16 : i32
      %mul3A_239 = arith.muli %scan3A_237, %mul3A_238 : i32
      %get3A = arith.index_cast %mul3A_239 : i32 to index
      %get3A_240 = tpu.vector_load %arg5[%get3A] {strides = array<i32>} : memref<32768xf32, #tpu.memory_space<vmem>>, vector<16xf32>,
      %get3A_241 = vector.shape_cast %get3A_240 : vector<16xf32> to vector<16xf32>
      %get3A_242 = arith.index_cast %mul3A_239 : i32 to index
      %get3A_243 = tpu.vector_load %arg6[%get3A_242] {strides = array<i32>} : memref<32768xf32, #tpu.memory_space<vmem>>, vector<16xf32>,
      %get3A_244 = vector.shape_cast %get3A_243 : vector<16xf32> to vector<16xf32>
      %add3A_245 = arith.addf %get3A_241, %get3A_244 : vector<16xf32>
      %swap3A = arith.index_cast %mul3A_239 : i32 to index
      %swap3A_246 = tpu.vector_load %arg5[%swap3A] {strides = array<i32>} : memref<32768xf32, #tpu.memory_space<vmem>>, vector<16xf32>,
      %swap3A_247 = vector.shape_cast %swap3A_246 : vector<16xf32> to vector<16xf32>
      %swap3A_248 = vector.shape_cast %add3A_245 : vector<16xf32> to vector<16xf32>
      tpu.vector_store %arg5[%swap3A], %swap3A_248 {strides = array<i32>} : memref<32768xf32, #tpu.memory_space<vmem>>, vector<16xf32>,
    }
    %scan3A_124 = arith.constant 2048 : i32
    "tpu.region"() ({
      %run_scoped3A = tpu.sem_alloc : memref<!tpu.dma_semaphore, #tpu.memory_space<semaphore_mem>>
      %dma_start3A = tpu.memref_slice %arg4[%mul3A_114] : memref<16777216xf32, #tpu.memory_space<hbm>> -> memref<32768xf32, #tpu.memory_space<hbm>>
      %dma_start3A_237 = tpu.memref_slice %arg4[%mul3A_114] : memref<16777216xf32, #tpu.memory_space<hbm>> -> memref<32768xf32, #tpu.memory_space<hbm>>
      tpu.enqueue_dma source(%arg5 : memref<32768xf32, #tpu.memory_space<vmem>>) target(%dma_start3A_237 : memref<32768xf32, #tpu.memory_space<hbm>>) target_semaphore(%run_scoped3A : memref<!tpu.dma_semaphore, #tpu.memory_space<semaphore_mem>>)
      %dma_wait3A = tpu.memref_slice %arg4[%mul3A_114] : memref<16777216xf32, #tpu.memory_space<hbm>> -> memref<32768xf32, #tpu.memory_space<hbm>>
      %dma_wait3A_238 = tpu.memref_slice %arg4[%mul3A_114] : memref<16777216xf32, #tpu.memory_space<hbm>> -> memref<32768xf32, #tpu.memory_space<hbm>>
      tpu.wait_dma2 semaphore(%run_scoped3A : memref<!tpu.dma_semaphore, #tpu.memory_space<semaphore_mem>>) src(%arg5 : memref<32768xf32, #tpu.memory_space<vmem>>) dst(%dma_wait3A_238 : memref<32768xf32, #tpu.memory_space<hbm>>)
      tpu.yield
    }) : () -> ()
    %add3A_125 = arith.constant 256 : i32
    %add3A_126 = arith.addi %mul3A_2, %add3A_125 : i32
    %mul3A_127 = arith.constant 1024 : i32
    %mul3A_128 = arith.muli %add3A_126, %mul3A_127 : i32
    %add3A_129 = arith.constant 256 : i32
    %add3A_130 = arith.addi %mul3A_13, %add3A_129 : i32
    %mul3A_131 = arith.constant 1024 : i32
    %mul3A_132 = arith.muli %add3A_130, %mul3A_131 : i32
    "tpu.region"() ({
      %run_scoped3A = tpu.sem_alloc : memref<!tpu.dma_semaphore, #tpu.memory_space<semaphore_mem>>
      %dma_start3A = tpu.memref_slice %arg2[%mul3A_128] : memref<16777216xf32, #tpu.memory_space<hbm>> -> memref<32768xf32, #tpu.memory_space<hbm>>
      %dma_start3A_237 = tpu.memref_slice %arg2[%mul3A_128] : memref<16777216xf32, #tpu.memory_space<hbm>> -> memref<32768xf32, #tpu.memory_space<hbm>>
      tpu.enqueue_dma source(%dma_start3A_237 : memref<32768xf32, #tpu.memory_space<hbm>>) target(%arg5 : memref<32768xf32, #tpu.memory_space<vmem>>) target_semaphore(%run_scoped3A : memref<!tpu.dma_semaphore, #tpu.memory_space<semaphore_mem>>)
      %dma_wait3A = tpu.memref_slice %arg2[%mul3A_128] : memref<16777216xf32, #tpu.memory_space<hbm>> -> memref<32768xf32, #tpu.memory_space<hbm>>
      %dma_wait3A_238 = tpu.memref_slice %arg2[%mul3A_128] : memref<16777216xf32, #tpu.memory_space<hbm>> -> memref<32768xf32, #tpu.memory_space<hbm>>
      tpu.wait_dma2 semaphore(%run_scoped3A : memref<!tpu.dma_semaphore, #tpu.memory_space<semaphore_mem>>) src(%dma_wait3A_238 : memref<32768xf32, #tpu.memory_space<hbm>>) dst(%arg5 : memref<32768xf32, #tpu.memory_space<vmem>>)
      tpu.yield
    }) : () -> ()
    "tpu.region"() ({
      %run_scoped3A = tpu.sem_alloc : memref<!tpu.dma_semaphore, #tpu.memory_space<semaphore_mem>>
      %dma_start3A = tpu.memref_slice %arg3[%mul3A_132] : memref<4194304xf32, #tpu.memory_space<hbm>> -> memref<32768xf32, #tpu.memory_space<hbm>>
      %dma_start3A_237 = tpu.memref_slice %arg3[%mul3A_132] : memref<4194304xf32, #tpu.memory_space<hbm>> -> memref<32768xf32, #tpu.memory_space<hbm>>
      tpu.enqueue_dma source(%dma_start3A_237 : memref<32768xf32, #tpu.memory_space<hbm>>) target(%arg6 : memref<32768xf32, #tpu.memory_space<vmem>>) target_semaphore(%run_scoped3A : memref<!tpu.dma_semaphore, #tpu.memory_space<semaphore_mem>>)
      %dma_wait3A = tpu.memref_slice %arg3[%mul3A_132] : memref<4194304xf32, #tpu.memory_space<hbm>> -> memref<32768xf32, #tpu.memory_space<hbm>>
      %dma_wait3A_238 = tpu.memref_slice %arg3[%mul3A_132] : memref<4194304xf32, #tpu.memory_space<hbm>> -> memref<32768xf32, #tpu.memory_space<hbm>>
      tpu.wait_dma2 semaphore(%run_scoped3A : memref<!tpu.dma_semaphore, #tpu.memory_space<semaphore_mem>>) src(%dma_wait3A_238 : memref<32768xf32, #tpu.memory_space<hbm>>) dst(%arg6 : memref<32768xf32, #tpu.memory_space<vmem>>)
      tpu.yield
    }) : () -> ()
    %scan3A_133 = arith.constant 0 : i32
    %scan3A_134 = arith.constant 0 : i32
    %scan3A_135 = arith.constant 2048 : i32
    %scan3A_136 = arith.addi %scan3A_134, %scan3A_135 : i32
    %scan3A_137 = arith.constant 1 : i32
    scf.for %scan3A_237 = %scan3A_134 to %scan3A_136 step %scan3A_137  : i32 {
      %mul3A_238 = arith.constant 16 : i32
      %mul3A_239 = arith.muli %scan3A_237, %mul3A_238 : i32
      %get3A = arith.index_cast %mul3A_239 : i32 to index
      %get3A_240 = tpu.vector_load %arg5[%get3A] {strides = array<i32>} : memref<32768xf32, #tpu.memory_space<vmem>>, vector<16xf32>,
      %get3A_241 = vector.shape_cast %get3A_240 : vector<16xf32> to vector<16xf32>
      %get3A_242 = arith.index_cast %mul3A_239 : i32 to index
      %get3A_243 = tpu.vector_load %arg6[%get3A_242] {strides = array<i32>} : memref<32768xf32, #tpu.memory_space<vmem>>, vector<16xf32>,
      %get3A_244 = vector.shape_cast %get3A_243 : vector<16xf32> to vector<16xf32>
      %add3A_245 = arith.addf %get3A_241, %get3A_244 : vector<16xf32>
      %swap3A = arith.index_cast %mul3A_239 : i32 to index
      %swap3A_246 = tpu.vector_load %arg5[%swap3A] {strides = array<i32>} : memref<32768xf32, #tpu.memory_space<vmem>>, vector<16xf32>,
      %swap3A_247 = vector.shape_cast %swap3A_246 : vector<16xf32> to vector<16xf32>
      %swap3A_248 = vector.shape_cast %add3A_245 : vector<16xf32> to vector<16xf32>
      tpu.vector_store %arg5[%swap3A], %swap3A_248 {strides = array<i32>} : memref<32768xf32, #tpu.memory_space<vmem>>, vector<16xf32>,
    }
    %scan3A_138 = arith.constant 2048 : i32
    "tpu.region"() ({
      %run_scoped3A = tpu.sem_alloc : memref<!tpu.dma_semaphore, #tpu.memory_space<semaphore_mem>>
      %dma_start3A = tpu.memref_slice %arg4[%mul3A_128] : memref<16777216xf32, #tpu.memory_space<hbm>> -> memref<32768xf32, #tpu.memory_space<hbm>>
      %dma_start3A_237 = tpu.memref_slice %arg4[%mul3A_128] : memref<16777216xf32, #tpu.memory_space<hbm>> -> memref<32768xf32, #tpu.memory_space<hbm>>
      tpu.enqueue_dma source(%arg5 : memref<32768xf32, #tpu.memory_space<vmem>>) target(%dma_start3A_237 : memref<32768xf32, #tpu.memory_space<hbm>>) target_semaphore(%run_scoped3A : memref<!tpu.dma_semaphore, #tpu.memory_space<semaphore_mem>>)
      %dma_wait3A = tpu.memref_slice %arg4[%mul3A_128] : memref<16777216xf32, #tpu.memory_space<hbm>> -> memref<32768xf32, #tpu.memory_space<hbm>>
      %dma_wait3A_238 = tpu.memref_slice %arg4[%mul3A_128] : memref<16777216xf32, #tpu.memory_space<hbm>> -> memref<32768xf32, #tpu.memory_space<hbm>>
      tpu.wait_dma2 semaphore(%run_scoped3A : memref<!tpu.dma_semaphore, #tpu.memory_space<semaphore_mem>>) src(%arg5 : memref<32768xf32, #tpu.memory_space<vmem>>) dst(%dma_wait3A_238 : memref<32768xf32, #tpu.memory_space<hbm>>)
      tpu.yield
    }) : () -> ()
    %add3A_139 = arith.constant 288 : i32
    %add3A_140 = arith.addi %mul3A_2, %add3A_139 : i32
    %mul3A_141 = arith.constant 1024 : i32
    %mul3A_142 = arith.muli %add3A_140, %mul3A_141 : i32
    %add3A_143 = arith.constant 288 : i32
    %add3A_144 = arith.addi %mul3A_13, %add3A_143 : i32
    %mul3A_145 = arith.constant 1024 : i32
    %mul3A_146 = arith.muli %add3A_144, %mul3A_145 : i32
    "tpu.region"() ({
      %run_scoped3A = tpu.sem_alloc : memref<!tpu.dma_semaphore, #tpu.memory_space<semaphore_mem>>
      %dma_start3A = tpu.memref_slice %arg2[%mul3A_142] : memref<16777216xf32, #tpu.memory_space<hbm>> -> memref<32768xf32, #tpu.memory_space<hbm>>
      %dma_start3A_237 = tpu.memref_slice %arg2[%mul3A_142] : memref<16777216xf32, #tpu.memory_space<hbm>> -> memref<32768xf32, #tpu.memory_space<hbm>>
      tpu.enqueue_dma source(%dma_start3A_237 : memref<32768xf32, #tpu.memory_space<hbm>>) target(%arg5 : memref<32768xf32, #tpu.memory_space<vmem>>) target_semaphore(%run_scoped3A : memref<!tpu.dma_semaphore, #tpu.memory_space<semaphore_mem>>)
      %dma_wait3A = tpu.memref_slice %arg2[%mul3A_142] : memref<16777216xf32, #tpu.memory_space<hbm>> -> memref<32768xf32, #tpu.memory_space<hbm>>
      %dma_wait3A_238 = tpu.memref_slice %arg2[%mul3A_142] : memref<16777216xf32, #tpu.memory_space<hbm>> -> memref<32768xf32, #tpu.memory_space<hbm>>
      tpu.wait_dma2 semaphore(%run_scoped3A : memref<!tpu.dma_semaphore, #tpu.memory_space<semaphore_mem>>) src(%dma_wait3A_238 : memref<32768xf32, #tpu.memory_space<hbm>>) dst(%arg5 : memref<32768xf32, #tpu.memory_space<vmem>>)
      tpu.yield
    }) : () -> ()
    "tpu.region"() ({
      %run_scoped3A = tpu.sem_alloc : memref<!tpu.dma_semaphore, #tpu.memory_space<semaphore_mem>>
      %dma_start3A = tpu.memref_slice %arg3[%mul3A_146] : memref<4194304xf32, #tpu.memory_space<hbm>> -> memref<32768xf32, #tpu.memory_space<hbm>>
      %dma_start3A_237 = tpu.memref_slice %arg3[%mul3A_146] : memref<4194304xf32, #tpu.memory_space<hbm>> -> memref<32768xf32, #tpu.memory_space<hbm>>
      tpu.enqueue_dma source(%dma_start3A_237 : memref<32768xf32, #tpu.memory_space<hbm>>) target(%arg6 : memref<32768xf32, #tpu.memory_space<vmem>>) target_semaphore(%run_scoped3A : memref<!tpu.dma_semaphore, #tpu.memory_space<semaphore_mem>>)
      %dma_wait3A = tpu.memref_slice %arg3[%mul3A_146] : memref<4194304xf32, #tpu.memory_space<hbm>> -> memref<32768xf32, #tpu.memory_space<hbm>>
      %dma_wait3A_238 = tpu.memref_slice %arg3[%mul3A_146] : memref<4194304xf32, #tpu.memory_space<hbm>> -> memref<32768xf32, #tpu.memory_space<hbm>>
      tpu.wait_dma2 semaphore(%run_scoped3A : memref<!tpu.dma_semaphore, #tpu.memory_space<semaphore_mem>>) src(%dma_wait3A_238 : memref<32768xf32, #tpu.memory_space<hbm>>) dst(%arg6 : memref<32768xf32, #tpu.memory_space<vmem>>)
      tpu.yield
    }) : () -> ()
    %scan3A_147 = arith.constant 0 : i32
    %scan3A_148 = arith.constant 0 : i32
    %scan3A_149 = arith.constant 2048 : i32
    %scan3A_150 = arith.addi %scan3A_148, %scan3A_149 : i32
    %scan3A_151 = arith.constant 1 : i32
    scf.for %scan3A_237 = %scan3A_148 to %scan3A_150 step %scan3A_151  : i32 {
      %mul3A_238 = arith.constant 16 : i32
      %mul3A_239 = arith.muli %scan3A_237, %mul3A_238 : i32
      %get3A = arith.index_cast %mul3A_239 : i32 to index
      %get3A_240 = tpu.vector_load %arg5[%get3A] {strides = array<i32>} : memref<32768xf32, #tpu.memory_space<vmem>>, vector<16xf32>,
      %get3A_241 = vector.shape_cast %get3A_240 : vector<16xf32> to vector<16xf32>
      %get3A_242 = arith.index_cast %mul3A_239 : i32 to index
      %get3A_243 = tpu.vector_load %arg6[%get3A_242] {strides = array<i32>} : memref<32768xf32, #tpu.memory_space<vmem>>, vector<16xf32>,
      %get3A_244 = vector.shape_cast %get3A_243 : vector<16xf32> to vector<16xf32>
      %add3A_245 = arith.addf %get3A_241, %get3A_244 : vector<16xf32>
      %swap3A = arith.index_cast %mul3A_239 : i32 to index
      %swap3A_246 = tpu.vector_load %arg5[%swap3A] {strides = array<i32>} : memref<32768xf32, #tpu.memory_space<vmem>>, vector<16xf32>,
      %swap3A_247 = vector.shape_cast %swap3A_246 : vector<16xf32> to vector<16xf32>
      %swap3A_248 = vector.shape_cast %add3A_245 : vector<16xf32> to vector<16xf32>
      tpu.vector_store %arg5[%swap3A], %swap3A_248 {strides = array<i32>} : memref<32768xf32, #tpu.memory_space<vmem>>, vector<16xf32>,
    }
    %scan3A_152 = arith.constant 2048 : i32
    "tpu.region"() ({
      %run_scoped3A = tpu.sem_alloc : memref<!tpu.dma_semaphore, #tpu.memory_space<semaphore_mem>>
      %dma_start3A = tpu.memref_slice %arg4[%mul3A_142] : memref<16777216xf32, #tpu.memory_space<hbm>> -> memref<32768xf32, #tpu.memory_space<hbm>>
      %dma_start3A_237 = tpu.memref_slice %arg4[%mul3A_142] : memref<16777216xf32, #tpu.memory_space<hbm>> -> memref<32768xf32, #tpu.memory_space<hbm>>
      tpu.enqueue_dma source(%arg5 : memref<32768xf32, #tpu.memory_space<vmem>>) target(%dma_start3A_237 : memref<32768xf32, #tpu.memory_space<hbm>>) target_semaphore(%run_scoped3A : memref<!tpu.dma_semaphore, #tpu.memory_space<semaphore_mem>>)
      %dma_wait3A = tpu.memref_slice %arg4[%mul3A_142] : memref<16777216xf32, #tpu.memory_space<hbm>> -> memref<32768xf32, #tpu.memory_space<hbm>>
      %dma_wait3A_238 = tpu.memref_slice %arg4[%mul3A_142] : memref<16777216xf32, #tpu.memory_space<hbm>> -> memref<32768xf32, #tpu.memory_space<hbm>>
      tpu.wait_dma2 semaphore(%run_scoped3A : memref<!tpu.dma_semaphore, #tpu.memory_space<semaphore_mem>>) src(%arg5 : memref<32768xf32, #tpu.memory_space<vmem>>) dst(%dma_wait3A_238 : memref<32768xf32, #tpu.memory_space<hbm>>)
      tpu.yield
    }) : () -> ()
    %add3A_153 = arith.constant 320 : i32
    %add3A_154 = arith.addi %mul3A_2, %add3A_153 : i32
    %mul3A_155 = arith.constant 1024 : i32
    %mul3A_156 = arith.muli %add3A_154, %mul3A_155 : i32
    %add3A_157 = arith.constant 320 : i32
    %add3A_158 = arith.addi %mul3A_13, %add3A_157 : i32
    %mul3A_159 = arith.constant 1024 : i32
    %mul3A_160 = arith.muli %add3A_158, %mul3A_159 : i32
    "tpu.region"() ({
      %run_scoped3A = tpu.sem_alloc : memref<!tpu.dma_semaphore, #tpu.memory_space<semaphore_mem>>
      %dma_start3A = tpu.memref_slice %arg2[%mul3A_156] : memref<16777216xf32, #tpu.memory_space<hbm>> -> memref<32768xf32, #tpu.memory_space<hbm>>
      %dma_start3A_237 = tpu.memref_slice %arg2[%mul3A_156] : memref<16777216xf32, #tpu.memory_space<hbm>> -> memref<32768xf32, #tpu.memory_space<hbm>>
      tpu.enqueue_dma source(%dma_start3A_237 : memref<32768xf32, #tpu.memory_space<hbm>>) target(%arg5 : memref<32768xf32, #tpu.memory_space<vmem>>) target_semaphore(%run_scoped3A : memref<!tpu.dma_semaphore, #tpu.memory_space<semaphore_mem>>)
      %dma_wait3A = tpu.memref_slice %arg2[%mul3A_156] : memref<16777216xf32, #tpu.memory_space<hbm>> -> memref<32768xf32, #tpu.memory_space<hbm>>
      %dma_wait3A_238 = tpu.memref_slice %arg2[%mul3A_156] : memref<16777216xf32, #tpu.memory_space<hbm>> -> memref<32768xf32, #tpu.memory_space<hbm>>
      tpu.wait_dma2 semaphore(%run_scoped3A : memref<!tpu.dma_semaphore, #tpu.memory_space<semaphore_mem>>) src(%dma_wait3A_238 : memref<32768xf32, #tpu.memory_space<hbm>>) dst(%arg5 : memref<32768xf32, #tpu.memory_space<vmem>>)
      tpu.yield
    }) : () -> ()
    "tpu.region"() ({
      %run_scoped3A = tpu.sem_alloc : memref<!tpu.dma_semaphore, #tpu.memory_space<semaphore_mem>>
      %dma_start3A = tpu.memref_slice %arg3[%mul3A_160] : memref<4194304xf32, #tpu.memory_space<hbm>> -> memref<32768xf32, #tpu.memory_space<hbm>>
      %dma_start3A_237 = tpu.memref_slice %arg3[%mul3A_160] : memref<4194304xf32, #tpu.memory_space<hbm>> -> memref<32768xf32, #tpu.memory_space<hbm>>
      tpu.enqueue_dma source(%dma_start3A_237 : memref<32768xf32, #tpu.memory_space<hbm>>) target(%arg6 : memref<32768xf32, #tpu.memory_space<vmem>>) target_semaphore(%run_scoped3A : memref<!tpu.dma_semaphore, #tpu.memory_space<semaphore_mem>>)
      %dma_wait3A = tpu.memref_slice %arg3[%mul3A_160] : memref<4194304xf32, #tpu.memory_space<hbm>> -> memref<32768xf32, #tpu.memory_space<hbm>>
      %dma_wait3A_238 = tpu.memref_slice %arg3[%mul3A_160] : memref<4194304xf32, #tpu.memory_space<hbm>> -> memref<32768xf32, #tpu.memory_space<hbm>>
      tpu.wait_dma2 semaphore(%run_scoped3A : memref<!tpu.dma_semaphore, #tpu.memory_space<semaphore_mem>>) src(%dma_wait3A_238 : memref<32768xf32, #tpu.memory_space<hbm>>) dst(%arg6 : memref<32768xf32, #tpu.memory_space<vmem>>)
      tpu.yield
    }) : () -> ()
    %scan3A_161 = arith.constant 0 : i32
    %scan3A_162 = arith.constant 0 : i32
    %scan3A_163 = arith.constant 2048 : i32
    %scan3A_164 = arith.addi %scan3A_162, %scan3A_163 : i32
    %scan3A_165 = arith.constant 1 : i32
    scf.for %scan3A_237 = %scan3A_162 to %scan3A_164 step %scan3A_165  : i32 {
      %mul3A_238 = arith.constant 16 : i32
      %mul3A_239 = arith.muli %scan3A_237, %mul3A_238 : i32
      %get3A = arith.index_cast %mul3A_239 : i32 to index
      %get3A_240 = tpu.vector_load %arg5[%get3A] {strides = array<i32>} : memref<32768xf32, #tpu.memory_space<vmem>>, vector<16xf32>,
      %get3A_241 = vector.shape_cast %get3A_240 : vector<16xf32> to vector<16xf32>
      %get3A_242 = arith.index_cast %mul3A_239 : i32 to index
      %get3A_243 = tpu.vector_load %arg6[%get3A_242] {strides = array<i32>} : memref<32768xf32, #tpu.memory_space<vmem>>, vector<16xf32>,
      %get3A_244 = vector.shape_cast %get3A_243 : vector<16xf32> to vector<16xf32>
      %add3A_245 = arith.addf %get3A_241, %get3A_244 : vector<16xf32>
      %swap3A = arith.index_cast %mul3A_239 : i32 to index
      %swap3A_246 = tpu.vector_load %arg5[%swap3A] {strides = array<i32>} : memref<32768xf32, #tpu.memory_space<vmem>>, vector<16xf32>,
      %swap3A_247 = vector.shape_cast %swap3A_246 : vector<16xf32> to vector<16xf32>
      %swap3A_248 = vector.shape_cast %add3A_245 : vector<16xf32> to vector<16xf32>
      tpu.vector_store %arg5[%swap3A], %swap3A_248 {strides = array<i32>} : memref<32768xf32, #tpu.memory_space<vmem>>, vector<16xf32>,
    }
    %scan3A_166 = arith.constant 2048 : i32
    "tpu.region"() ({
      %run_scoped3A = tpu.sem_alloc : memref<!tpu.dma_semaphore, #tpu.memory_space<semaphore_mem>>
      %dma_start3A = tpu.memref_slice %arg4[%mul3A_156] : memref<16777216xf32, #tpu.memory_space<hbm>> -> memref<32768xf32, #tpu.memory_space<hbm>>
      %dma_start3A_237 = tpu.memref_slice %arg4[%mul3A_156] : memref<16777216xf32, #tpu.memory_space<hbm>> -> memref<32768xf32, #tpu.memory_space<hbm>>
      tpu.enqueue_dma source(%arg5 : memref<32768xf32, #tpu.memory_space<vmem>>) target(%dma_start3A_237 : memref<32768xf32, #tpu.memory_space<hbm>>) target_semaphore(%run_scoped3A : memref<!tpu.dma_semaphore, #tpu.memory_space<semaphore_mem>>)
      %dma_wait3A = tpu.memref_slice %arg4[%mul3A_156] : memref<16777216xf32, #tpu.memory_space<hbm>> -> memref<32768xf32, #tpu.memory_space<hbm>>
      %dma_wait3A_238 = tpu.memref_slice %arg4[%mul3A_156] : memref<16777216xf32, #tpu.memory_space<hbm>> -> memref<32768xf32, #tpu.memory_space<hbm>>
      tpu.wait_dma2 semaphore(%run_scoped3A : memref<!tpu.dma_semaphore, #tpu.memory_space<semaphore_mem>>) src(%arg5 : memref<32768xf32, #tpu.memory_space<vmem>>) dst(%dma_wait3A_238 : memref<32768xf32, #tpu.memory_space<hbm>>)
      tpu.yield
    }) : () -> ()
    %add3A_167 = arith.constant 352 : i32
    %add3A_168 = arith.addi %mul3A_2, %add3A_167 : i32
    %mul3A_169 = arith.constant 1024 : i32
    %mul3A_170 = arith.muli %add3A_168, %mul3A_169 : i32
    %add3A_171 = arith.constant 352 : i32
    %add3A_172 = arith.addi %mul3A_13, %add3A_171 : i32
    %mul3A_173 = arith.constant 1024 : i32
    %mul3A_174 = arith.muli %add3A_172, %mul3A_173 : i32
    "tpu.region"() ({
      %run_scoped3A = tpu.sem_alloc : memref<!tpu.dma_semaphore, #tpu.memory_space<semaphore_mem>>
      %dma_start3A = tpu.memref_slice %arg2[%mul3A_170] : memref<16777216xf32, #tpu.memory_space<hbm>> -> memref<32768xf32, #tpu.memory_space<hbm>>
      %dma_start3A_237 = tpu.memref_slice %arg2[%mul3A_170] : memref<16777216xf32, #tpu.memory_space<hbm>> -> memref<32768xf32, #tpu.memory_space<hbm>>
      tpu.enqueue_dma source(%dma_start3A_237 : memref<32768xf32, #tpu.memory_space<hbm>>) target(%arg5 : memref<32768xf32, #tpu.memory_space<vmem>>) target_semaphore(%run_scoped3A : memref<!tpu.dma_semaphore, #tpu.memory_space<semaphore_mem>>)
      %dma_wait3A = tpu.memref_slice %arg2[%mul3A_170] : memref<16777216xf32, #tpu.memory_space<hbm>> -> memref<32768xf32, #tpu.memory_space<hbm>>
      %dma_wait3A_238 = tpu.memref_slice %arg2[%mul3A_170] : memref<16777216xf32, #tpu.memory_space<hbm>> -> memref<32768xf32, #tpu.memory_space<hbm>>
      tpu.wait_dma2 semaphore(%run_scoped3A : memref<!tpu.dma_semaphore, #tpu.memory_space<semaphore_mem>>) src(%dma_wait3A_238 : memref<32768xf32, #tpu.memory_space<hbm>>) dst(%arg5 : memref<32768xf32, #tpu.memory_space<vmem>>)
      tpu.yield
    }) : () -> ()
    "tpu.region"() ({
      %run_scoped3A = tpu.sem_alloc : memref<!tpu.dma_semaphore, #tpu.memory_space<semaphore_mem>>
      %dma_start3A = tpu.memref_slice %arg3[%mul3A_174] : memref<4194304xf32, #tpu.memory_space<hbm>> -> memref<32768xf32, #tpu.memory_space<hbm>>
      %dma_start3A_237 = tpu.memref_slice %arg3[%mul3A_174] : memref<4194304xf32, #tpu.memory_space<hbm>> -> memref<32768xf32, #tpu.memory_space<hbm>>
      tpu.enqueue_dma source(%dma_start3A_237 : memref<32768xf32, #tpu.memory_space<hbm>>) target(%arg6 : memref<32768xf32, #tpu.memory_space<vmem>>) target_semaphore(%run_scoped3A : memref<!tpu.dma_semaphore, #tpu.memory_space<semaphore_mem>>)
      %dma_wait3A = tpu.memref_slice %arg3[%mul3A_174] : memref<4194304xf32, #tpu.memory_space<hbm>> -> memref<32768xf32, #tpu.memory_space<hbm>>
      %dma_wait3A_238 = tpu.memref_slice %arg3[%mul3A_174] : memref<4194304xf32, #tpu.memory_space<hbm>> -> memref<32768xf32, #tpu.memory_space<hbm>>
      tpu.wait_dma2 semaphore(%run_scoped3A : memref<!tpu.dma_semaphore, #tpu.memory_space<semaphore_mem>>) src(%dma_wait3A_238 : memref<32768xf32, #tpu.memory_space<hbm>>) dst(%arg6 : memref<32768xf32, #tpu.memory_space<vmem>>)
      tpu.yield
    }) : () -> ()
    %scan3A_175 = arith.constant 0 : i32
    %scan3A_176 = arith.constant 0 : i32
    %scan3A_177 = arith.constant 2048 : i32
    %scan3A_178 = arith.addi %scan3A_176, %scan3A_177 : i32
    %scan3A_179 = arith.constant 1 : i32
    scf.for %scan3A_237 = %scan3A_176 to %scan3A_178 step %scan3A_179  : i32 {
      %mul3A_238 = arith.constant 16 : i32
      %mul3A_239 = arith.muli %scan3A_237, %mul3A_238 : i32
      %get3A = arith.index_cast %mul3A_239 : i32 to index
      %get3A_240 = tpu.vector_load %arg5[%get3A] {strides = array<i32>} : memref<32768xf32, #tpu.memory_space<vmem>>, vector<16xf32>,
      %get3A_241 = vector.shape_cast %get3A_240 : vector<16xf32> to vector<16xf32>
      %get3A_242 = arith.index_cast %mul3A_239 : i32 to index
      %get3A_243 = tpu.vector_load %arg6[%get3A_242] {strides = array<i32>} : memref<32768xf32, #tpu.memory_space<vmem>>, vector<16xf32>,
      %get3A_244 = vector.shape_cast %get3A_243 : vector<16xf32> to vector<16xf32>
      %add3A_245 = arith.addf %get3A_241, %get3A_244 : vector<16xf32>
      %swap3A = arith.index_cast %mul3A_239 : i32 to index
      %swap3A_246 = tpu.vector_load %arg5[%swap3A] {strides = array<i32>} : memref<32768xf32, #tpu.memory_space<vmem>>, vector<16xf32>,
      %swap3A_247 = vector.shape_cast %swap3A_246 : vector<16xf32> to vector<16xf32>
      %swap3A_248 = vector.shape_cast %add3A_245 : vector<16xf32> to vector<16xf32>
      tpu.vector_store %arg5[%swap3A], %swap3A_248 {strides = array<i32>} : memref<32768xf32, #tpu.memory_space<vmem>>, vector<16xf32>,
    }
    %scan3A_180 = arith.constant 2048 : i32
    "tpu.region"() ({
      %run_scoped3A = tpu.sem_alloc : memref<!tpu.dma_semaphore, #tpu.memory_space<semaphore_mem>>
      %dma_start3A = tpu.memref_slice %arg4[%mul3A_170] : memref<16777216xf32, #tpu.memory_space<hbm>> -> memref<32768xf32, #tpu.memory_space<hbm>>
      %dma_start3A_237 = tpu.memref_slice %arg4[%mul3A_170] : memref<16777216xf32, #tpu.memory_space<hbm>> -> memref<32768xf32, #tpu.memory_space<hbm>>
      tpu.enqueue_dma source(%arg5 : memref<32768xf32, #tpu.memory_space<vmem>>) target(%dma_start3A_237 : memref<32768xf32, #tpu.memory_space<hbm>>) target_semaphore(%run_scoped3A : memref<!tpu.dma_semaphore, #tpu.memory_space<semaphore_mem>>)
      %dma_wait3A = tpu.memref_slice %arg4[%mul3A_170] : memref<16777216xf32, #tpu.memory_space<hbm>> -> memref<32768xf32, #tpu.memory_space<hbm>>
      %dma_wait3A_238 = tpu.memref_slice %arg4[%mul3A_170] : memref<16777216xf32, #tpu.memory_space<hbm>> -> memref<32768xf32, #tpu.memory_space<hbm>>
      tpu.wait_dma2 semaphore(%run_scoped3A : memref<!tpu.dma_semaphore, #tpu.memory_space<semaphore_mem>>) src(%arg5 : memref<32768xf32, #tpu.memory_space<vmem>>) dst(%dma_wait3A_238 : memref<32768xf32, #tpu.memory_space<hbm>>)
      tpu.yield
    }) : () -> ()
    %add3A_181 = arith.constant 384 : i32
    %add3A_182 = arith.addi %mul3A_2, %add3A_181 : i32
    %mul3A_183 = arith.constant 1024 : i32
    %mul3A_184 = arith.muli %add3A_182, %mul3A_183 : i32
    %add3A_185 = arith.constant 384 : i32
    %add3A_186 = arith.addi %mul3A_13, %add3A_185 : i32
    %mul3A_187 = arith.constant 1024 : i32
    %mul3A_188 = arith.muli %add3A_186, %mul3A_187 : i32
    "tpu.region"() ({
      %run_scoped3A = tpu.sem_alloc : memref<!tpu.dma_semaphore, #tpu.memory_space<semaphore_mem>>
      %dma_start3A = tpu.memref_slice %arg2[%mul3A_184] : memref<16777216xf32, #tpu.memory_space<hbm>> -> memref<32768xf32, #tpu.memory_space<hbm>>
      %dma_start3A_237 = tpu.memref_slice %arg2[%mul3A_184] : memref<16777216xf32, #tpu.memory_space<hbm>> -> memref<32768xf32, #tpu.memory_space<hbm>>
      tpu.enqueue_dma source(%dma_start3A_237 : memref<32768xf32, #tpu.memory_space<hbm>>) target(%arg5 : memref<32768xf32, #tpu.memory_space<vmem>>) target_semaphore(%run_scoped3A : memref<!tpu.dma_semaphore, #tpu.memory_space<semaphore_mem>>)
      %dma_wait3A = tpu.memref_slice %arg2[%mul3A_184] : memref<16777216xf32, #tpu.memory_space<hbm>> -> memref<32768xf32, #tpu.memory_space<hbm>>
      %dma_wait3A_238 = tpu.memref_slice %arg2[%mul3A_184] : memref<16777216xf32, #tpu.memory_space<hbm>> -> memref<32768xf32, #tpu.memory_space<hbm>>
      tpu.wait_dma2 semaphore(%run_scoped3A : memref<!tpu.dma_semaphore, #tpu.memory_space<semaphore_mem>>) src(%dma_wait3A_238 : memref<32768xf32, #tpu.memory_space<hbm>>) dst(%arg5 : memref<32768xf32, #tpu.memory_space<vmem>>)
      tpu.yield
    }) : () -> ()
    "tpu.region"() ({
      %run_scoped3A = tpu.sem_alloc : memref<!tpu.dma_semaphore, #tpu.memory_space<semaphore_mem>>
      %dma_start3A = tpu.memref_slice %arg3[%mul3A_188] : memref<4194304xf32, #tpu.memory_space<hbm>> -> memref<32768xf32, #tpu.memory_space<hbm>>
      %dma_start3A_237 = tpu.memref_slice %arg3[%mul3A_188] : memref<4194304xf32, #tpu.memory_space<hbm>> -> memref<32768xf32, #tpu.memory_space<hbm>>
      tpu.enqueue_dma source(%dma_start3A_237 : memref<32768xf32, #tpu.memory_space<hbm>>) target(%arg6 : memref<32768xf32, #tpu.memory_space<vmem>>) target_semaphore(%run_scoped3A : memref<!tpu.dma_semaphore, #tpu.memory_space<semaphore_mem>>)
      %dma_wait3A = tpu.memref_slice %arg3[%mul3A_188] : memref<4194304xf32, #tpu.memory_space<hbm>> -> memref<32768xf32, #tpu.memory_space<hbm>>
      %dma_wait3A_238 = tpu.memref_slice %arg3[%mul3A_188] : memref<4194304xf32, #tpu.memory_space<hbm>> -> memref<32768xf32, #tpu.memory_space<hbm>>
      tpu.wait_dma2 semaphore(%run_scoped3A : memref<!tpu.dma_semaphore, #tpu.memory_space<semaphore_mem>>) src(%dma_wait3A_238 : memref<32768xf32, #tpu.memory_space<hbm>>) dst(%arg6 : memref<32768xf32, #tpu.memory_space<vmem>>)
      tpu.yield
    }) : () -> ()
    %scan3A_189 = arith.constant 0 : i32
    %scan3A_190 = arith.constant 0 : i32
    %scan3A_191 = arith.constant 2048 : i32
    %scan3A_192 = arith.addi %scan3A_190, %scan3A_191 : i32
    %scan3A_193 = arith.constant 1 : i32
    scf.for %scan3A_237 = %scan3A_190 to %scan3A_192 step %scan3A_193  : i32 {
      %mul3A_238 = arith.constant 16 : i32
      %mul3A_239 = arith.muli %scan3A_237, %mul3A_238 : i32
      %get3A = arith.index_cast %mul3A_239 : i32 to index
      %get3A_240 = tpu.vector_load %arg5[%get3A] {strides = array<i32>} : memref<32768xf32, #tpu.memory_space<vmem>>, vector<16xf32>,
      %get3A_241 = vector.shape_cast %get3A_240 : vector<16xf32> to vector<16xf32>
      %get3A_242 = arith.index_cast %mul3A_239 : i32 to index
      %get3A_243 = tpu.vector_load %arg6[%get3A_242] {strides = array<i32>} : memref<32768xf32, #tpu.memory_space<vmem>>, vector<16xf32>,
      %get3A_244 = vector.shape_cast %get3A_243 : vector<16xf32> to vector<16xf32>
      %add3A_245 = arith.addf %get3A_241, %get3A_244 : vector<16xf32>
      %swap3A = arith.index_cast %mul3A_239 : i32 to index
      %swap3A_246 = tpu.vector_load %arg5[%swap3A] {strides = array<i32>} : memref<32768xf32, #tpu.memory_space<vmem>>, vector<16xf32>,
      %swap3A_247 = vector.shape_cast %swap3A_246 : vector<16xf32> to vector<16xf32>
      %swap3A_248 = vector.shape_cast %add3A_245 : vector<16xf32> to vector<16xf32>
      tpu.vector_store %arg5[%swap3A], %swap3A_248 {strides = array<i32>} : memref<32768xf32, #tpu.memory_space<vmem>>, vector<16xf32>,
    }
    %scan3A_194 = arith.constant 2048 : i32
    "tpu.region"() ({
      %run_scoped3A = tpu.sem_alloc : memref<!tpu.dma_semaphore, #tpu.memory_space<semaphore_mem>>
      %dma_start3A = tpu.memref_slice %arg4[%mul3A_184] : memref<16777216xf32, #tpu.memory_space<hbm>> -> memref<32768xf32, #tpu.memory_space<hbm>>
      %dma_start3A_237 = tpu.memref_slice %arg4[%mul3A_184] : memref<16777216xf32, #tpu.memory_space<hbm>> -> memref<32768xf32, #tpu.memory_space<hbm>>
      tpu.enqueue_dma source(%arg5 : memref<32768xf32, #tpu.memory_space<vmem>>) target(%dma_start3A_237 : memref<32768xf32, #tpu.memory_space<hbm>>) target_semaphore(%run_scoped3A : memref<!tpu.dma_semaphore, #tpu.memory_space<semaphore_mem>>)
      %dma_wait3A = tpu.memref_slice %arg4[%mul3A_184] : memref<16777216xf32, #tpu.memory_space<hbm>> -> memref<32768xf32, #tpu.memory_space<hbm>>
      %dma_wait3A_238 = tpu.memref_slice %arg4[%mul3A_184] : memref<16777216xf32, #tpu.memory_space<hbm>> -> memref<32768xf32, #tpu.memory_space<hbm>>
      tpu.wait_dma2 semaphore(%run_scoped3A : memref<!tpu.dma_semaphore, #tpu.memory_space<semaphore_mem>>) src(%arg5 : memref<32768xf32, #tpu.memory_space<vmem>>) dst(%dma_wait3A_238 : memref<32768xf32, #tpu.memory_space<hbm>>)
      tpu.yield
    }) : () -> ()
    %add3A_195 = arith.constant 416 : i32
    %add3A_196 = arith.addi %mul3A_2, %add3A_195 : i32
    %mul3A_197 = arith.constant 1024 : i32
    %mul3A_198 = arith.muli %add3A_196, %mul3A_197 : i32
    %add3A_199 = arith.constant 416 : i32
    %add3A_200 = arith.addi %mul3A_13, %add3A_199 : i32
    %mul3A_201 = arith.constant 1024 : i32
    %mul3A_202 = arith.muli %add3A_200, %mul3A_201 : i32
    "tpu.region"() ({
      %run_scoped3A = tpu.sem_alloc : memref<!tpu.dma_semaphore, #tpu.memory_space<semaphore_mem>>
      %dma_start3A = tpu.memref_slice %arg2[%mul3A_198] : memref<16777216xf32, #tpu.memory_space<hbm>> -> memref<32768xf32, #tpu.memory_space<hbm>>
      %dma_start3A_237 = tpu.memref_slice %arg2[%mul3A_198] : memref<16777216xf32, #tpu.memory_space<hbm>> -> memref<32768xf32, #tpu.memory_space<hbm>>
      tpu.enqueue_dma source(%dma_start3A_237 : memref<32768xf32, #tpu.memory_space<hbm>>) target(%arg5 : memref<32768xf32, #tpu.memory_space<vmem>>) target_semaphore(%run_scoped3A : memref<!tpu.dma_semaphore, #tpu.memory_space<semaphore_mem>>)
      %dma_wait3A = tpu.memref_slice %arg2[%mul3A_198] : memref<16777216xf32, #tpu.memory_space<hbm>> -> memref<32768xf32, #tpu.memory_space<hbm>>
      %dma_wait3A_238 = tpu.memref_slice %arg2[%mul3A_198] : memref<16777216xf32, #tpu.memory_space<hbm>> -> memref<32768xf32, #tpu.memory_space<hbm>>
      tpu.wait_dma2 semaphore(%run_scoped3A : memref<!tpu.dma_semaphore, #tpu.memory_space<semaphore_mem>>) src(%dma_wait3A_238 : memref<32768xf32, #tpu.memory_space<hbm>>) dst(%arg5 : memref<32768xf32, #tpu.memory_space<vmem>>)
      tpu.yield
    }) : () -> ()
    "tpu.region"() ({
      %run_scoped3A = tpu.sem_alloc : memref<!tpu.dma_semaphore, #tpu.memory_space<semaphore_mem>>
      %dma_start3A = tpu.memref_slice %arg3[%mul3A_202] : memref<4194304xf32, #tpu.memory_space<hbm>> -> memref<32768xf32, #tpu.memory_space<hbm>>
      %dma_start3A_237 = tpu.memref_slice %arg3[%mul3A_202] : memref<4194304xf32, #tpu.memory_space<hbm>> -> memref<32768xf32, #tpu.memory_space<hbm>>
      tpu.enqueue_dma source(%dma_start3A_237 : memref<32768xf32, #tpu.memory_space<hbm>>) target(%arg6 : memref<32768xf32, #tpu.memory_space<vmem>>) target_semaphore(%run_scoped3A : memref<!tpu.dma_semaphore, #tpu.memory_space<semaphore_mem>>)
      %dma_wait3A = tpu.memref_slice %arg3[%mul3A_202] : memref<4194304xf32, #tpu.memory_space<hbm>> -> memref<32768xf32, #tpu.memory_space<hbm>>
      %dma_wait3A_238 = tpu.memref_slice %arg3[%mul3A_202] : memref<4194304xf32, #tpu.memory_space<hbm>> -> memref<32768xf32, #tpu.memory_space<hbm>>
      tpu.wait_dma2 semaphore(%run_scoped3A : memref<!tpu.dma_semaphore, #tpu.memory_space<semaphore_mem>>) src(%dma_wait3A_238 : memref<32768xf32, #tpu.memory_space<hbm>>) dst(%arg6 : memref<32768xf32, #tpu.memory_space<vmem>>)
      tpu.yield
    }) : () -> ()
    %scan3A_203 = arith.constant 0 : i32
    %scan3A_204 = arith.constant 0 : i32
    %scan3A_205 = arith.constant 2048 : i32
    %scan3A_206 = arith.addi %scan3A_204, %scan3A_205 : i32
    %scan3A_207 = arith.constant 1 : i32
    scf.for %scan3A_237 = %scan3A_204 to %scan3A_206 step %scan3A_207  : i32 {
      %mul3A_238 = arith.constant 16 : i32
      %mul3A_239 = arith.muli %scan3A_237, %mul3A_238 : i32
      %get3A = arith.index_cast %mul3A_239 : i32 to index
      %get3A_240 = tpu.vector_load %arg5[%get3A] {strides = array<i32>} : memref<32768xf32, #tpu.memory_space<vmem>>, vector<16xf32>,
      %get3A_241 = vector.shape_cast %get3A_240 : vector<16xf32> to vector<16xf32>
      %get3A_242 = arith.index_cast %mul3A_239 : i32 to index
      %get3A_243 = tpu.vector_load %arg6[%get3A_242] {strides = array<i32>} : memref<32768xf32, #tpu.memory_space<vmem>>, vector<16xf32>,
      %get3A_244 = vector.shape_cast %get3A_243 : vector<16xf32> to vector<16xf32>
      %add3A_245 = arith.addf %get3A_241, %get3A_244 : vector<16xf32>
      %swap3A = arith.index_cast %mul3A_239 : i32 to index
      %swap3A_246 = tpu.vector_load %arg5[%swap3A] {strides = array<i32>} : memref<32768xf32, #tpu.memory_space<vmem>>, vector<16xf32>,
      %swap3A_247 = vector.shape_cast %swap3A_246 : vector<16xf32> to vector<16xf32>
      %swap3A_248 = vector.shape_cast %add3A_245 : vector<16xf32> to vector<16xf32>
      tpu.vector_store %arg5[%swap3A], %swap3A_248 {strides = array<i32>} : memref<32768xf32, #tpu.memory_space<vmem>>, vector<16xf32>,
    }
    %scan3A_208 = arith.constant 2048 : i32
    "tpu.region"() ({
      %run_scoped3A = tpu.sem_alloc : memref<!tpu.dma_semaphore, #tpu.memory_space<semaphore_mem>>
      %dma_start3A = tpu.memref_slice %arg4[%mul3A_198] : memref<16777216xf32, #tpu.memory_space<hbm>> -> memref<32768xf32, #tpu.memory_space<hbm>>
      %dma_start3A_237 = tpu.memref_slice %arg4[%mul3A_198] : memref<16777216xf32, #tpu.memory_space<hbm>> -> memref<32768xf32, #tpu.memory_space<hbm>>
      tpu.enqueue_dma source(%arg5 : memref<32768xf32, #tpu.memory_space<vmem>>) target(%dma_start3A_237 : memref<32768xf32, #tpu.memory_space<hbm>>) target_semaphore(%run_scoped3A : memref<!tpu.dma_semaphore, #tpu.memory_space<semaphore_mem>>)
      %dma_wait3A = tpu.memref_slice %arg4[%mul3A_198] : memref<16777216xf32, #tpu.memory_space<hbm>> -> memref<32768xf32, #tpu.memory_space<hbm>>
      %dma_wait3A_238 = tpu.memref_slice %arg4[%mul3A_198] : memref<16777216xf32, #tpu.memory_space<hbm>> -> memref<32768xf32, #tpu.memory_space<hbm>>
      tpu.wait_dma2 semaphore(%run_scoped3A : memref<!tpu.dma_semaphore, #tpu.memory_space<semaphore_mem>>) src(%arg5 : memref<32768xf32, #tpu.memory_space<vmem>>) dst(%dma_wait3A_238 : memref<32768xf32, #tpu.memory_space<hbm>>)
      tpu.yield
    }) : () -> ()
    %add3A_209 = arith.constant 448 : i32
    %add3A_210 = arith.addi %mul3A_2, %add3A_209 : i32
    %mul3A_211 = arith.constant 1024 : i32
    %mul3A_212 = arith.muli %add3A_210, %mul3A_211 : i32
    %add3A_213 = arith.constant 448 : i32
    %add3A_214 = arith.addi %mul3A_13, %add3A_213 : i32
    %mul3A_215 = arith.constant 1024 : i32
    %mul3A_216 = arith.muli %add3A_214, %mul3A_215 : i32
    "tpu.region"() ({
      %run_scoped3A = tpu.sem_alloc : memref<!tpu.dma_semaphore, #tpu.memory_space<semaphore_mem>>
      %dma_start3A = tpu.memref_slice %arg2[%mul3A_212] : memref<16777216xf32, #tpu.memory_space<hbm>> -> memref<32768xf32, #tpu.memory_space<hbm>>
      %dma_start3A_237 = tpu.memref_slice %arg2[%mul3A_212] : memref<16777216xf32, #tpu.memory_space<hbm>> -> memref<32768xf32, #tpu.memory_space<hbm>>
      tpu.enqueue_dma source(%dma_start3A_237 : memref<32768xf32, #tpu.memory_space<hbm>>) target(%arg5 : memref<32768xf32, #tpu.memory_space<vmem>>) target_semaphore(%run_scoped3A : memref<!tpu.dma_semaphore, #tpu.memory_space<semaphore_mem>>)
      %dma_wait3A = tpu.memref_slice %arg2[%mul3A_212] : memref<16777216xf32, #tpu.memory_space<hbm>> -> memref<32768xf32, #tpu.memory_space<hbm>>
      %dma_wait3A_238 = tpu.memref_slice %arg2[%mul3A_212] : memref<16777216xf32, #tpu.memory_space<hbm>> -> memref<32768xf32, #tpu.memory_space<hbm>>
      tpu.wait_dma2 semaphore(%run_scoped3A : memref<!tpu.dma_semaphore, #tpu.memory_space<semaphore_mem>>) src(%dma_wait3A_238 : memref<32768xf32, #tpu.memory_space<hbm>>) dst(%arg5 : memref<32768xf32, #tpu.memory_space<vmem>>)
      tpu.yield
    }) : () -> ()
    "tpu.region"() ({
      %run_scoped3A = tpu.sem_alloc : memref<!tpu.dma_semaphore, #tpu.memory_space<semaphore_mem>>
      %dma_start3A = tpu.memref_slice %arg3[%mul3A_216] : memref<4194304xf32, #tpu.memory_space<hbm>> -> memref<32768xf32, #tpu.memory_space<hbm>>
      %dma_start3A_237 = tpu.memref_slice %arg3[%mul3A_216] : memref<4194304xf32, #tpu.memory_space<hbm>> -> memref<32768xf32, #tpu.memory_space<hbm>>
      tpu.enqueue_dma source(%dma_start3A_237 : memref<32768xf32, #tpu.memory_space<hbm>>) target(%arg6 : memref<32768xf32, #tpu.memory_space<vmem>>) target_semaphore(%run_scoped3A : memref<!tpu.dma_semaphore, #tpu.memory_space<semaphore_mem>>)
      %dma_wait3A = tpu.memref_slice %arg3[%mul3A_216] : memref<4194304xf32, #tpu.memory_space<hbm>> -> memref<32768xf32, #tpu.memory_space<hbm>>
      %dma_wait3A_238 = tpu.memref_slice %arg3[%mul3A_216] : memref<4194304xf32, #tpu.memory_space<hbm>> -> memref<32768xf32, #tpu.memory_space<hbm>>
      tpu.wait_dma2 semaphore(%run_scoped3A : memref<!tpu.dma_semaphore, #tpu.memory_space<semaphore_mem>>) src(%dma_wait3A_238 : memref<32768xf32, #tpu.memory_space<hbm>>) dst(%arg6 : memref<32768xf32, #tpu.memory_space<vmem>>)
      tpu.yield
    }) : () -> ()
    %scan3A_217 = arith.constant 0 : i32
    %scan3A_218 = arith.constant 0 : i32
    %scan3A_219 = arith.constant 2048 : i32
    %scan3A_220 = arith.addi %scan3A_218, %scan3A_219 : i32
    %scan3A_221 = arith.constant 1 : i32
    scf.for %scan3A_237 = %scan3A_218 to %scan3A_220 step %scan3A_221  : i32 {
      %mul3A_238 = arith.constant 16 : i32
      %mul3A_239 = arith.muli %scan3A_237, %mul3A_238 : i32
      %get3A = arith.index_cast %mul3A_239 : i32 to index
      %get3A_240 = tpu.vector_load %arg5[%get3A] {strides = array<i32>} : memref<32768xf32, #tpu.memory_space<vmem>>, vector<16xf32>,
      %get3A_241 = vector.shape_cast %get3A_240 : vector<16xf32> to vector<16xf32>
      %get3A_242 = arith.index_cast %mul3A_239 : i32 to index
      %get3A_243 = tpu.vector_load %arg6[%get3A_242] {strides = array<i32>} : memref<32768xf32, #tpu.memory_space<vmem>>, vector<16xf32>,
      %get3A_244 = vector.shape_cast %get3A_243 : vector<16xf32> to vector<16xf32>
      %add3A_245 = arith.addf %get3A_241, %get3A_244 : vector<16xf32>
      %swap3A = arith.index_cast %mul3A_239 : i32 to index
      %swap3A_246 = tpu.vector_load %arg5[%swap3A] {strides = array<i32>} : memref<32768xf32, #tpu.memory_space<vmem>>, vector<16xf32>,
      %swap3A_247 = vector.shape_cast %swap3A_246 : vector<16xf32> to vector<16xf32>
      %swap3A_248 = vector.shape_cast %add3A_245 : vector<16xf32> to vector<16xf32>
      tpu.vector_store %arg5[%swap3A], %swap3A_248 {strides = array<i32>} : memref<32768xf32, #tpu.memory_space<vmem>>, vector<16xf32>,
    }
    %scan3A_222 = arith.constant 2048 : i32
    "tpu.region"() ({
      %run_scoped3A = tpu.sem_alloc : memref<!tpu.dma_semaphore, #tpu.memory_space<semaphore_mem>>
      %dma_start3A = tpu.memref_slice %arg4[%mul3A_212] : memref<16777216xf32, #tpu.memory_space<hbm>> -> memref<32768xf32, #tpu.memory_space<hbm>>
      %dma_start3A_237 = tpu.memref_slice %arg4[%mul3A_212] : memref<16777216xf32, #tpu.memory_space<hbm>> -> memref<32768xf32, #tpu.memory_space<hbm>>
      tpu.enqueue_dma source(%arg5 : memref<32768xf32, #tpu.memory_space<vmem>>) target(%dma_start3A_237 : memref<32768xf32, #tpu.memory_space<hbm>>) target_semaphore(%run_scoped3A : memref<!tpu.dma_semaphore, #tpu.memory_space<semaphore_mem>>)
      %dma_wait3A = tpu.memref_slice %arg4[%mul3A_212] : memref<16777216xf32, #tpu.memory_space<hbm>> -> memref<32768xf32, #tpu.memory_space<hbm>>
      %dma_wait3A_238 = tpu.memref_slice %arg4[%mul3A_212] : memref<16777216xf32, #tpu.memory_space<hbm>> -> memref<32768xf32, #tpu.memory_space<hbm>>
      tpu.wait_dma2 semaphore(%run_scoped3A : memref<!tpu.dma_semaphore, #tpu.memory_space<semaphore_mem>>) src(%arg5 : memref<32768xf32, #tpu.memory_space<vmem>>) dst(%dma_wait3A_238 : memref<32768xf32, #tpu.memory_space<hbm>>)
      tpu.yield
    }) : () -> ()
    %add3A_223 = arith.constant 480 : i32
    %add3A_224 = arith.addi %mul3A_2, %add3A_223 : i32
    %mul3A_225 = arith.constant 1024 : i32
    %mul3A_226 = arith.muli %add3A_224, %mul3A_225 : i32
    %add3A_227 = arith.constant 480 : i32
    %add3A_228 = arith.addi %mul3A_13, %add3A_227 : i32
    %mul3A_229 = arith.constant 1024 : i32
    %mul3A_230 = arith.muli %add3A_228, %mul3A_229 : i32
    "tpu.region"() ({
      %run_scoped3A = tpu.sem_alloc : memref<!tpu.dma_semaphore, #tpu.memory_space<semaphore_mem>>
      %dma_start3A = tpu.memref_slice %arg2[%mul3A_226] : memref<16777216xf32, #tpu.memory_space<hbm>> -> memref<32768xf32, #tpu.memory_space<hbm>>
      %dma_start3A_237 = tpu.memref_slice %arg2[%mul3A_226] : memref<16777216xf32, #tpu.memory_space<hbm>> -> memref<32768xf32, #tpu.memory_space<hbm>>
      tpu.enqueue_dma source(%dma_start3A_237 : memref<32768xf32, #tpu.memory_space<hbm>>) target(%arg5 : memref<32768xf32, #tpu.memory_space<vmem>>) target_semaphore(%run_scoped3A : memref<!tpu.dma_semaphore, #tpu.memory_space<semaphore_mem>>)
      %dma_wait3A = tpu.memref_slice %arg2[%mul3A_226] : memref<16777216xf32, #tpu.memory_space<hbm>> -> memref<32768xf32, #tpu.memory_space<hbm>>
      %dma_wait3A_238 = tpu.memref_slice %arg2[%mul3A_226] : memref<16777216xf32, #tpu.memory_space<hbm>> -> memref<32768xf32, #tpu.memory_space<hbm>>
      tpu.wait_dma2 semaphore(%run_scoped3A : memref<!tpu.dma_semaphore, #tpu.memory_space<semaphore_mem>>) src(%dma_wait3A_238 : memref<32768xf32, #tpu.memory_space<hbm>>) dst(%arg5 : memref<32768xf32, #tpu.memory_space<vmem>>)
      tpu.yield
    }) : () -> ()
    "tpu.region"() ({
      %run_scoped3A = tpu.sem_alloc : memref<!tpu.dma_semaphore, #tpu.memory_space<semaphore_mem>>
      %dma_start3A = tpu.memref_slice %arg3[%mul3A_230] : memref<4194304xf32, #tpu.memory_space<hbm>> -> memref<32768xf32, #tpu.memory_space<hbm>>
      %dma_start3A_237 = tpu.memref_slice %arg3[%mul3A_230] : memref<4194304xf32, #tpu.memory_space<hbm>> -> memref<32768xf32, #tpu.memory_space<hbm>>
      tpu.enqueue_dma source(%dma_start3A_237 : memref<32768xf32, #tpu.memory_space<hbm>>) target(%arg6 : memref<32768xf32, #tpu.memory_space<vmem>>) target_semaphore(%run_scoped3A : memref<!tpu.dma_semaphore, #tpu.memory_space<semaphore_mem>>)
      %dma_wait3A = tpu.memref_slice %arg3[%mul3A_230] : memref<4194304xf32, #tpu.memory_space<hbm>> -> memref<32768xf32, #tpu.memory_space<hbm>>
      %dma_wait3A_238 = tpu.memref_slice %arg3[%mul3A_230] : memref<4194304xf32, #tpu.memory_space<hbm>> -> memref<32768xf32, #tpu.memory_space<hbm>>
      tpu.wait_dma2 semaphore(%run_scoped3A : memref<!tpu.dma_semaphore, #tpu.memory_space<semaphore_mem>>) src(%dma_wait3A_238 : memref<32768xf32, #tpu.memory_space<hbm>>) dst(%arg6 : memref<32768xf32, #tpu.memory_space<vmem>>)
      tpu.yield
    }) : () -> ()
    %scan3A_231 = arith.constant 0 : i32
    %scan3A_232 = arith.constant 0 : i32
    %scan3A_233 = arith.constant 2048 : i32
    %scan3A_234 = arith.addi %scan3A_232, %scan3A_233 : i32
    %scan3A_235 = arith.constant 1 : i32
    scf.for %scan3A_237 = %scan3A_232 to %scan3A_234 step %scan3A_235  : i32 {
      %mul3A_238 = arith.constant 16 : i32
      %mul3A_239 = arith.muli %scan3A_237, %mul3A_238 : i32
      %get3A = arith.index_cast %mul3A_239 : i32 to index
      %get3A_240 = tpu.vector_load %arg5[%get3A] {strides = array<i32>} : memref<32768xf32, #tpu.memory_space<vmem>>, vector<16xf32>,
      %get3A_241 = vector.shape_cast %get3A_240 : vector<16xf32> to vector<16xf32>
      %get3A_242 = arith.index_cast %mul3A_239 : i32 to index
      %get3A_243 = tpu.vector_load %arg6[%get3A_242] {strides = array<i32>} : memref<32768xf32, #tpu.memory_space<vmem>>, vector<16xf32>,
      %get3A_244 = vector.shape_cast %get3A_243 : vector<16xf32> to vector<16xf32>
      %add3A_245 = arith.addf %get3A_241, %get3A_244 : vector<16xf32>
      %swap3A = arith.index_cast %mul3A_239 : i32 to index
      %swap3A_246 = tpu.vector_load %arg5[%swap3A] {strides = array<i32>} : memref<32768xf32, #tpu.memory_space<vmem>>, vector<16xf32>,
      %swap3A_247 = vector.shape_cast %swap3A_246 : vector<16xf32> to vector<16xf32>
      %swap3A_248 = vector.shape_cast %add3A_245 : vector<16xf32> to vector<16xf32>
      tpu.vector_store %arg5[%swap3A], %swap3A_248 {strides = array<i32>} : memref<32768xf32, #tpu.memory_space<vmem>>, vector<16xf32>,
    }
    %scan3A_236 = arith.constant 2048 : i32
    "tpu.region"() ({
      %run_scoped3A = tpu.sem_alloc : memref<!tpu.dma_semaphore, #tpu.memory_space<semaphore_mem>>
      %dma_start3A = tpu.memref_slice %arg4[%mul3A_226] : memref<16777216xf32, #tpu.memory_space<hbm>> -> memref<32768xf32, #tpu.memory_space<hbm>>
      %dma_start3A_237 = tpu.memref_slice %arg4[%mul3A_226] : memref<16777216xf32, #tpu.memory_space<hbm>> -> memref<32768xf32, #tpu.memory_space<hbm>>
      tpu.enqueue_dma source(%arg5 : memref<32768xf32, #tpu.memory_space<vmem>>) target(%dma_start3A_237 : memref<32768xf32, #tpu.memory_space<hbm>>) target_semaphore(%run_scoped3A : memref<!tpu.dma_semaphore, #tpu.memory_space<semaphore_mem>>)
      %dma_wait3A = tpu.memref_slice %arg4[%mul3A_226] : memref<16777216xf32, #tpu.memory_space<hbm>> -> memref<32768xf32, #tpu.memory_space<hbm>>
      %dma_wait3A_238 = tpu.memref_slice %arg4[%mul3A_226] : memref<16777216xf32, #tpu.memory_space<hbm>> -> memref<32768xf32, #tpu.memory_space<hbm>>
      tpu.wait_dma2 semaphore(%run_scoped3A : memref<!tpu.dma_semaphore, #tpu.memory_space<semaphore_mem>>) src(%arg5 : memref<32768xf32, #tpu.memory_space<vmem>>) dst(%dma_wait3A_238 : memref<32768xf32, #tpu.memory_space<hbm>>)
      tpu.yield
    }) : () -> ()
    return
  }
}

module attributes {stable_mosaic.version = 14 : i64} {
  func.func @_pe_table_block(%arg0: i32, %arg1: memref<256x1024xf32, #tpu.memory_space<vmem>>, %arg2: memref<256x1024xf32, #tpu.memory_space<vmem>>, %arg3: memref<256x1024xf32, #tpu.memory_space<vmem>>, %arg4: memref<16x1024xf32, #tpu.memory_space<vmem>>, %arg5: memref<16x1024xf32, #tpu.memory_space<vmem>>) attributes {dimension_semantics = [#tpu.dimension_semantics<arbitrary>], iteration_bounds = array<i64: 16>, scalar_prefetch = 0 : i64, scratch_operands = 4 : i64, tpu.core_type = #tpu.core_type<tc>, window_params = [{transform_indices = @transform_0, window_bounds = array<i64: 256, 1024>}]} {
    %eq3A = arith.constant 0 : i32
    %eq3A_0 = arith.cmpi eq, %arg0, %eq3A : i32
    %convert_element_type3A = arith.extui %eq3A_0 : i1 to i32
    %cond3A = arith.constant 0 : i32
    %cond3A_1 = arith.cmpi ne, %convert_element_type3A, %cond3A : i32
    scf.if %cond3A_1 {
      %iota3A = tpu.iota {dimensions = array<i32: 1>} : vector<16x1024xi32>
      %jit3A_28 = arith.constant 2 : i32
      %eq3A_29 = arith.constant 0 : i32
      %eq3A_30 = arith.cmpi eq, %jit3A_28, %eq3A_29 : i32
      %jit3A_31 = arith.constant 1 : i32
      %select_n3A_32 = arith.select %eq3A_30, %jit3A_31, %jit3A_28 : i32
      %rem3A_33 = vector.broadcast %select_n3A_32 : i32 to vector<16x1024xi32>
      %rem3A_34 = arith.remsi %iota3A, %rem3A_33 : vector<16x1024xi32>
      %ne3A_35 = arith.constant 0 : i32
      %ne3A_36 = vector.broadcast %ne3A_35 : i32 to vector<16x1024xi32>
      %ne3A_37 = arith.cmpi ne, %rem3A_34, %ne3A_36 : vector<16x1024xi32>
      %lt3A_38 = arith.constant 0 : i32
      %lt3A_39 = vector.broadcast %lt3A_38 : i32 to vector<16x1024xi32>
      %lt3A_40 = arith.cmpi slt, %rem3A_34, %lt3A_39 : vector<16x1024xi32>
      %lt3A_41 = arith.constant 0 : i32
      %lt3A_42 = arith.cmpi slt, %select_n3A_32, %lt3A_41 : i32
      %ne3A_43 = vector.broadcast %lt3A_42 : i1 to vector<16x1024xi1>
      %ne3A_44 = vector.broadcast %ne3A_43 : vector<16x1024xi1> to vector<16x1024xi1>
      %ne3A_45 = arith.xori %lt3A_40, %ne3A_44 : vector<16x1024xi1>
      %and3A_46 = arith.andi %ne3A_45, %ne3A_37 : vector<16x1024xi1>
      %add3A_47 = vector.broadcast %select_n3A_32 : i32 to vector<16x1024xi32>
      %add3A_48 = arith.addi %rem3A_34, %add3A_47 : vector<16x1024xi32>
      %select_n3A_49 = arith.select %and3A_46, %add3A_48, %rem3A_34 : vector<16x1024xi1>, vector<16x1024xi32>
      %eq3A_50 = arith.constant 0 : i32
      %eq3A_51 = vector.broadcast %eq3A_50 : i32 to vector<16x1024xi32>
      %eq3A_52 = arith.cmpi eq, %select_n3A_49, %eq3A_51 : vector<16x1024xi32>
      %jit3A_53 = arith.constant 2 : i32
      %eq3A_54 = arith.constant 0 : i32
      %eq3A_55 = arith.cmpi eq, %jit3A_53, %eq3A_54 : i32
      %jit3A_56 = arith.constant 1 : i32
      %select_n3A_57 = arith.select %eq3A_55, %jit3A_56, %jit3A_53 : i32
      %rem3A_58 = vector.broadcast %select_n3A_57 : i32 to vector<16x1024xi32>
      %rem3A_59 = arith.remsi %iota3A, %rem3A_58 : vector<16x1024xi32>
      %ne3A_60 = arith.constant 0 : i32
      %ne3A_61 = vector.broadcast %ne3A_60 : i32 to vector<16x1024xi32>
      %ne3A_62 = arith.cmpi ne, %rem3A_59, %ne3A_61 : vector<16x1024xi32>
      %lt3A_63 = arith.constant 0 : i32
      %lt3A_64 = vector.broadcast %lt3A_63 : i32 to vector<16x1024xi32>
      %lt3A_65 = arith.cmpi slt, %rem3A_59, %lt3A_64 : vector<16x1024xi32>
      %lt3A_66 = arith.constant 0 : i32
      %lt3A_67 = arith.cmpi slt, %select_n3A_57, %lt3A_66 : i32
      %ne3A_68 = vector.broadcast %lt3A_67 : i1 to vector<16x1024xi1>
      %ne3A_69 = vector.broadcast %ne3A_68 : vector<16x1024xi1> to vector<16x1024xi1>
      %ne3A_70 = arith.xori %lt3A_65, %ne3A_69 : vector<16x1024xi1>
      %and3A_71 = arith.andi %ne3A_70, %ne3A_62 : vector<16x1024xi1>
      %add3A_72 = vector.broadcast %select_n3A_57 : i32 to vector<16x1024xi32>
      %add3A_73 = arith.addi %rem3A_59, %add3A_72 : vector<16x1024xi32>
      %select_n3A_74 = arith.select %and3A_71, %add3A_73, %rem3A_59 : vector<16x1024xi1>, vector<16x1024xi32>
      %sub3A = arith.subi %iota3A, %select_n3A_74 : vector<16x1024xi32>
      %convert_element_type3A_75 = arith.sitofp %sub3A : vector<16x1024xi32> to vector<16x1024xf32>
      %mul3A_76 = arith.constant -0.00899447314 : f32
      %mul3A_77 = vector.broadcast %mul3A_76 : f32 to vector<16x1024xf32>
      %mul3A_78 = arith.mulf %convert_element_type3A_75, %mul3A_77 : vector<16x1024xf32>
      %exp3A = math.exp %mul3A_78 : vector<16x1024xf32>
      %iota3A_79 = tpu.iota {dimensions = array<i32: 0>} : vector<16x1024xi32>
      %convert_element_type3A_80 = arith.sitofp %iota3A_79 : vector<16x1024xi32> to vector<16x1024xf32>
      %mul3A_81 = arith.mulf %convert_element_type3A_80, %exp3A : vector<16x1024xf32>
      %sin3A = math.sin %mul3A_81 : vector<16x1024xf32>
      %cos3A = math.cos %mul3A_81 : vector<16x1024xf32>
      %mul3A_82 = arith.constant 2.000000e+00 : f32
      %mul3A_83 = vector.broadcast %mul3A_82 : f32 to vector<16x1024xf32>
      %mul3A_84 = arith.mulf %mul3A_83, %sin3A : vector<16x1024xf32>
      %mul3A_85 = arith.mulf %mul3A_84, %cos3A : vector<16x1024xf32>
      %mul3A_86 = arith.mulf %cos3A, %cos3A : vector<16x1024xf32>
      %mul3A_87 = arith.mulf %sin3A, %sin3A : vector<16x1024xf32>
      %sub3A_88 = arith.subf %mul3A_86, %mul3A_87 : vector<16x1024xf32>
      %mul3A_89 = arith.constant 2.000000e+00 : f32
      %mul3A_90 = vector.broadcast %mul3A_89 : f32 to vector<16x1024xf32>
      %mul3A_91 = arith.mulf %mul3A_90, %mul3A_85 : vector<16x1024xf32>
      %mul3A_92 = arith.mulf %mul3A_91, %sub3A_88 : vector<16x1024xf32>
      %mul3A_93 = arith.mulf %sub3A_88, %sub3A_88 : vector<16x1024xf32>
      %mul3A_94 = arith.mulf %mul3A_85, %mul3A_85 : vector<16x1024xf32>
      %sub3A_95 = arith.subf %mul3A_93, %mul3A_94 : vector<16x1024xf32>
      %mul3A_96 = arith.constant 2.000000e+00 : f32
      %mul3A_97 = vector.broadcast %mul3A_96 : f32 to vector<16x1024xf32>
      %mul3A_98 = arith.mulf %mul3A_97, %mul3A_92 : vector<16x1024xf32>
      %mul3A_99 = arith.mulf %mul3A_98, %sub3A_95 : vector<16x1024xf32>
      %mul3A_100 = arith.mulf %sub3A_95, %sub3A_95 : vector<16x1024xf32>
      %mul3A_101 = arith.mulf %mul3A_92, %mul3A_92 : vector<16x1024xf32>
      %sub3A_102 = arith.subf %mul3A_100, %mul3A_101 : vector<16x1024xf32>
      %mul3A_103 = arith.constant 2.000000e+00 : f32
      %mul3A_104 = vector.broadcast %mul3A_103 : f32 to vector<16x1024xf32>
      %mul3A_105 = arith.mulf %mul3A_104, %mul3A_99 : vector<16x1024xf32>
      %mul3A_106 = arith.mulf %mul3A_105, %sub3A_102 : vector<16x1024xf32>
      %mul3A_107 = arith.mulf %sub3A_102, %sub3A_102 : vector<16x1024xf32>
      %mul3A_108 = arith.mulf %mul3A_99, %mul3A_99 : vector<16x1024xf32>
      %sub3A_109 = arith.subf %mul3A_107, %mul3A_108 : vector<16x1024xf32>
      %slice3A = vector.extract_strided_slice %mul3A_106 {offsets = [0, 0], sizes = [1, 1024], strides = [1, 1]} : vector<16x1024xf32> to vector<1x1024xf32>
      %slice3A_110 = vector.extract_strided_slice %sub3A_109 {offsets = [0, 0], sizes = [1, 1024], strides = [1, 1]} : vector<16x1024xf32> to vector<1x1024xf32>
      %mul3A_111 = vector.broadcast %slice3A : vector<1x1024xf32> to vector<16x1024xf32>
      %mul3A_112 = arith.mulf %mul3A_111, %cos3A : vector<16x1024xf32>
      %mul3A_113 = vector.broadcast %slice3A_110 : vector<1x1024xf32> to vector<16x1024xf32>
      %mul3A_114 = arith.mulf %mul3A_113, %sin3A : vector<16x1024xf32>
      %add3A_115 = arith.addf %mul3A_112, %mul3A_114 : vector<16x1024xf32>
      %swap3A_116 = arith.constant 0 : index
      %swap3A_117 = arith.constant 0 : index
      %swap3A_118 = vector.load %arg2[%swap3A_116, %swap3A_117] : memref<256x1024xf32, #tpu.memory_space<vmem>>, vector<16x1024xf32>
      tpu.vector_store %arg2[%swap3A_116, %swap3A_117], %add3A_115 {strides = array<i32>} : memref<256x1024xf32, #tpu.memory_space<vmem>>, vector<16x1024xf32>,
      %mul3A_119 = vector.broadcast %slice3A_110 : vector<1x1024xf32> to vector<16x1024xf32>
      %mul3A_120 = arith.mulf %mul3A_119, %cos3A : vector<16x1024xf32>
      %mul3A_121 = vector.broadcast %slice3A : vector<1x1024xf32> to vector<16x1024xf32>
      %mul3A_122 = arith.mulf %mul3A_121, %sin3A : vector<16x1024xf32>
      %sub3A_123 = arith.subf %mul3A_120, %mul3A_122 : vector<16x1024xf32>
      %swap3A_124 = arith.constant 0 : index
      %swap3A_125 = arith.constant 0 : index
      %swap3A_126 = vector.load %arg3[%swap3A_124, %swap3A_125] : memref<256x1024xf32, #tpu.memory_space<vmem>>, vector<16x1024xf32>
      tpu.vector_store %arg3[%swap3A_124, %swap3A_125], %sub3A_123 {strides = array<i32>} : memref<256x1024xf32, #tpu.memory_space<vmem>>, vector<16x1024xf32>,
      %slice3A_127 = vector.extract_strided_slice %mul3A_106 {offsets = [1, 0], sizes = [1, 1024], strides = [1, 1]} : vector<16x1024xf32> to vector<1x1024xf32>
      %slice3A_128 = vector.extract_strided_slice %sub3A_109 {offsets = [1, 0], sizes = [1, 1024], strides = [1, 1]} : vector<16x1024xf32> to vector<1x1024xf32>
      %mul3A_129 = vector.broadcast %slice3A_127 : vector<1x1024xf32> to vector<16x1024xf32>
      %mul3A_130 = arith.mulf %mul3A_129, %cos3A : vector<16x1024xf32>
      %mul3A_131 = vector.broadcast %slice3A_128 : vector<1x1024xf32> to vector<16x1024xf32>
      %mul3A_132 = arith.mulf %mul3A_131, %sin3A : vector<16x1024xf32>
      %add3A_133 = arith.addf %mul3A_130, %mul3A_132 : vector<16x1024xf32>
      %swap3A_134 = arith.constant 16 : index
      %swap3A_135 = arith.constant 0 : index
      %swap3A_136 = vector.load %arg2[%swap3A_134, %swap3A_135] : memref<256x1024xf32, #tpu.memory_space<vmem>>, vector<16x1024xf32>
      tpu.vector_store %arg2[%swap3A_134, %swap3A_135], %add3A_133 {strides = array<i32>} : memref<256x1024xf32, #tpu.memory_space<vmem>>, vector<16x1024xf32>,
      %mul3A_137 = vector.broadcast %slice3A_128 : vector<1x1024xf32> to vector<16x1024xf32>
      %mul3A_138 = arith.mulf %mul3A_137, %cos3A : vector<16x1024xf32>
      %mul3A_139 = vector.broadcast %slice3A_127 : vector<1x1024xf32> to vector<16x1024xf32>
      %mul3A_140 = arith.mulf %mul3A_139, %sin3A : vector<16x1024xf32>
      %sub3A_141 = arith.subf %mul3A_138, %mul3A_140 : vector<16x1024xf32>
      %swap3A_142 = arith.constant 16 : index
      %swap3A_143 = arith.constant 0 : index
      %swap3A_144 = vector.load %arg3[%swap3A_142, %swap3A_143] : memref<256x1024xf32, #tpu.memory_space<vmem>>, vector<16x1024xf32>
      tpu.vector_store %arg3[%swap3A_142, %swap3A_143], %sub3A_141 {strides = array<i32>} : memref<256x1024xf32, #tpu.memory_space<vmem>>, vector<16x1024xf32>,
      %slice3A_145 = vector.extract_strided_slice %mul3A_106 {offsets = [2, 0], sizes = [1, 1024], strides = [1, 1]} : vector<16x1024xf32> to vector<1x1024xf32>
      %slice3A_146 = vector.extract_strided_slice %sub3A_109 {offsets = [2, 0], sizes = [1, 1024], strides = [1, 1]} : vector<16x1024xf32> to vector<1x1024xf32>
      %mul3A_147 = vector.broadcast %slice3A_145 : vector<1x1024xf32> to vector<16x1024xf32>
      %mul3A_148 = arith.mulf %mul3A_147, %cos3A : vector<16x1024xf32>
      %mul3A_149 = vector.broadcast %slice3A_146 : vector<1x1024xf32> to vector<16x1024xf32>
      %mul3A_150 = arith.mulf %mul3A_149, %sin3A : vector<16x1024xf32>
      %add3A_151 = arith.addf %mul3A_148, %mul3A_150 : vector<16x1024xf32>
      %swap3A_152 = arith.constant 32 : index
      %swap3A_153 = arith.constant 0 : index
      %swap3A_154 = vector.load %arg2[%swap3A_152, %swap3A_153] : memref<256x1024xf32, #tpu.memory_space<vmem>>, vector<16x1024xf32>
      tpu.vector_store %arg2[%swap3A_152, %swap3A_153], %add3A_151 {strides = array<i32>} : memref<256x1024xf32, #tpu.memory_space<vmem>>, vector<16x1024xf32>,
      %mul3A_155 = vector.broadcast %slice3A_146 : vector<1x1024xf32> to vector<16x1024xf32>
      %mul3A_156 = arith.mulf %mul3A_155, %cos3A : vector<16x1024xf32>
      %mul3A_157 = vector.broadcast %slice3A_145 : vector<1x1024xf32> to vector<16x1024xf32>
      %mul3A_158 = arith.mulf %mul3A_157, %sin3A : vector<16x1024xf32>
      %sub3A_159 = arith.subf %mul3A_156, %mul3A_158 : vector<16x1024xf32>
      %swap3A_160 = arith.constant 32 : index
      %swap3A_161 = arith.constant 0 : index
      %swap3A_162 = vector.load %arg3[%swap3A_160, %swap3A_161] : memref<256x1024xf32, #tpu.memory_space<vmem>>, vector<16x1024xf32>
      tpu.vector_store %arg3[%swap3A_160, %swap3A_161], %sub3A_159 {strides = array<i32>} : memref<256x1024xf32, #tpu.memory_space<vmem>>, vector<16x1024xf32>,
      %slice3A_163 = vector.extract_strided_slice %mul3A_106 {offsets = [3, 0], sizes = [1, 1024], strides = [1, 1]} : vector<16x1024xf32> to vector<1x1024xf32>
      %slice3A_164 = vector.extract_strided_slice %sub3A_109 {offsets = [3, 0], sizes = [1, 1024], strides = [1, 1]} : vector<16x1024xf32> to vector<1x1024xf32>
      %mul3A_165 = vector.broadcast %slice3A_163 : vector<1x1024xf32> to vector<16x1024xf32>
      %mul3A_166 = arith.mulf %mul3A_165, %cos3A : vector<16x1024xf32>
      %mul3A_167 = vector.broadcast %slice3A_164 : vector<1x1024xf32> to vector<16x1024xf32>
      %mul3A_168 = arith.mulf %mul3A_167, %sin3A : vector<16x1024xf32>
      %add3A_169 = arith.addf %mul3A_166, %mul3A_168 : vector<16x1024xf32>
      %swap3A_170 = arith.constant 48 : index
      %swap3A_171 = arith.constant 0 : index
      %swap3A_172 = vector.load %arg2[%swap3A_170, %swap3A_171] : memref<256x1024xf32, #tpu.memory_space<vmem>>, vector<16x1024xf32>
      tpu.vector_store %arg2[%swap3A_170, %swap3A_171], %add3A_169 {strides = array<i32>} : memref<256x1024xf32, #tpu.memory_space<vmem>>, vector<16x1024xf32>,
      %mul3A_173 = vector.broadcast %slice3A_164 : vector<1x1024xf32> to vector<16x1024xf32>
      %mul3A_174 = arith.mulf %mul3A_173, %cos3A : vector<16x1024xf32>
      %mul3A_175 = vector.broadcast %slice3A_163 : vector<1x1024xf32> to vector<16x1024xf32>
      %mul3A_176 = arith.mulf %mul3A_175, %sin3A : vector<16x1024xf32>
      %sub3A_177 = arith.subf %mul3A_174, %mul3A_176 : vector<16x1024xf32>
      %swap3A_178 = arith.constant 48 : index
      %swap3A_179 = arith.constant 0 : index
      %swap3A_180 = vector.load %arg3[%swap3A_178, %swap3A_179] : memref<256x1024xf32, #tpu.memory_space<vmem>>, vector<16x1024xf32>
      tpu.vector_store %arg3[%swap3A_178, %swap3A_179], %sub3A_177 {strides = array<i32>} : memref<256x1024xf32, #tpu.memory_space<vmem>>, vector<16x1024xf32>,
      %slice3A_181 = vector.extract_strided_slice %mul3A_106 {offsets = [4, 0], sizes = [1, 1024], strides = [1, 1]} : vector<16x1024xf32> to vector<1x1024xf32>
      %slice3A_182 = vector.extract_strided_slice %sub3A_109 {offsets = [4, 0], sizes = [1, 1024], strides = [1, 1]} : vector<16x1024xf32> to vector<1x1024xf32>
      %mul3A_183 = vector.broadcast %slice3A_181 : vector<1x1024xf32> to vector<16x1024xf32>
      %mul3A_184 = arith.mulf %mul3A_183, %cos3A : vector<16x1024xf32>
      %mul3A_185 = vector.broadcast %slice3A_182 : vector<1x1024xf32> to vector<16x1024xf32>
      %mul3A_186 = arith.mulf %mul3A_185, %sin3A : vector<16x1024xf32>
      %add3A_187 = arith.addf %mul3A_184, %mul3A_186 : vector<16x1024xf32>
      %swap3A_188 = arith.constant 64 : index
      %swap3A_189 = arith.constant 0 : index
      %swap3A_190 = vector.load %arg2[%swap3A_188, %swap3A_189] : memref<256x1024xf32, #tpu.memory_space<vmem>>, vector<16x1024xf32>
      tpu.vector_store %arg2[%swap3A_188, %swap3A_189], %add3A_187 {strides = array<i32>} : memref<256x1024xf32, #tpu.memory_space<vmem>>, vector<16x1024xf32>,
      %mul3A_191 = vector.broadcast %slice3A_182 : vector<1x1024xf32> to vector<16x1024xf32>
      %mul3A_192 = arith.mulf %mul3A_191, %cos3A : vector<16x1024xf32>
      %mul3A_193 = vector.broadcast %slice3A_181 : vector<1x1024xf32> to vector<16x1024xf32>
      %mul3A_194 = arith.mulf %mul3A_193, %sin3A : vector<16x1024xf32>
      %sub3A_195 = arith.subf %mul3A_192, %mul3A_194 : vector<16x1024xf32>
      %swap3A_196 = arith.constant 64 : index
      %swap3A_197 = arith.constant 0 : index
      %swap3A_198 = vector.load %arg3[%swap3A_196, %swap3A_197] : memref<256x1024xf32, #tpu.memory_space<vmem>>, vector<16x1024xf32>
      tpu.vector_store %arg3[%swap3A_196, %swap3A_197], %sub3A_195 {strides = array<i32>} : memref<256x1024xf32, #tpu.memory_space<vmem>>, vector<16x1024xf32>,
      %slice3A_199 = vector.extract_strided_slice %mul3A_106 {offsets = [5, 0], sizes = [1, 1024], strides = [1, 1]} : vector<16x1024xf32> to vector<1x1024xf32>
      %slice3A_200 = vector.extract_strided_slice %sub3A_109 {offsets = [5, 0], sizes = [1, 1024], strides = [1, 1]} : vector<16x1024xf32> to vector<1x1024xf32>
      %mul3A_201 = vector.broadcast %slice3A_199 : vector<1x1024xf32> to vector<16x1024xf32>
      %mul3A_202 = arith.mulf %mul3A_201, %cos3A : vector<16x1024xf32>
      %mul3A_203 = vector.broadcast %slice3A_200 : vector<1x1024xf32> to vector<16x1024xf32>
      %mul3A_204 = arith.mulf %mul3A_203, %sin3A : vector<16x1024xf32>
      %add3A_205 = arith.addf %mul3A_202, %mul3A_204 : vector<16x1024xf32>
      %swap3A_206 = arith.constant 80 : index
      %swap3A_207 = arith.constant 0 : index
      %swap3A_208 = vector.load %arg2[%swap3A_206, %swap3A_207] : memref<256x1024xf32, #tpu.memory_space<vmem>>, vector<16x1024xf32>
      tpu.vector_store %arg2[%swap3A_206, %swap3A_207], %add3A_205 {strides = array<i32>} : memref<256x1024xf32, #tpu.memory_space<vmem>>, vector<16x1024xf32>,
      %mul3A_209 = vector.broadcast %slice3A_200 : vector<1x1024xf32> to vector<16x1024xf32>
      %mul3A_210 = arith.mulf %mul3A_209, %cos3A : vector<16x1024xf32>
      %mul3A_211 = vector.broadcast %slice3A_199 : vector<1x1024xf32> to vector<16x1024xf32>
      %mul3A_212 = arith.mulf %mul3A_211, %sin3A : vector<16x1024xf32>
      %sub3A_213 = arith.subf %mul3A_210, %mul3A_212 : vector<16x1024xf32>
      %swap3A_214 = arith.constant 80 : index
      %swap3A_215 = arith.constant 0 : index
      %swap3A_216 = vector.load %arg3[%swap3A_214, %swap3A_215] : memref<256x1024xf32, #tpu.memory_space<vmem>>, vector<16x1024xf32>
      tpu.vector_store %arg3[%swap3A_214, %swap3A_215], %sub3A_213 {strides = array<i32>} : memref<256x1024xf32, #tpu.memory_space<vmem>>, vector<16x1024xf32>,
      %slice3A_217 = vector.extract_strided_slice %mul3A_106 {offsets = [6, 0], sizes = [1, 1024], strides = [1, 1]} : vector<16x1024xf32> to vector<1x1024xf32>
      %slice3A_218 = vector.extract_strided_slice %sub3A_109 {offsets = [6, 0], sizes = [1, 1024], strides = [1, 1]} : vector<16x1024xf32> to vector<1x1024xf32>
      %mul3A_219 = vector.broadcast %slice3A_217 : vector<1x1024xf32> to vector<16x1024xf32>
      %mul3A_220 = arith.mulf %mul3A_219, %cos3A : vector<16x1024xf32>
      %mul3A_221 = vector.broadcast %slice3A_218 : vector<1x1024xf32> to vector<16x1024xf32>
      %mul3A_222 = arith.mulf %mul3A_221, %sin3A : vector<16x1024xf32>
      %add3A_223 = arith.addf %mul3A_220, %mul3A_222 : vector<16x1024xf32>
      %swap3A_224 = arith.constant 96 : index
      %swap3A_225 = arith.constant 0 : index
      %swap3A_226 = vector.load %arg2[%swap3A_224, %swap3A_225] : memref<256x1024xf32, #tpu.memory_space<vmem>>, vector<16x1024xf32>
      tpu.vector_store %arg2[%swap3A_224, %swap3A_225], %add3A_223 {strides = array<i32>} : memref<256x1024xf32, #tpu.memory_space<vmem>>, vector<16x1024xf32>,
      %mul3A_227 = vector.broadcast %slice3A_218 : vector<1x1024xf32> to vector<16x1024xf32>
      %mul3A_228 = arith.mulf %mul3A_227, %cos3A : vector<16x1024xf32>
      %mul3A_229 = vector.broadcast %slice3A_217 : vector<1x1024xf32> to vector<16x1024xf32>
      %mul3A_230 = arith.mulf %mul3A_229, %sin3A : vector<16x1024xf32>
      %sub3A_231 = arith.subf %mul3A_228, %mul3A_230 : vector<16x1024xf32>
      %swap3A_232 = arith.constant 96 : index
      %swap3A_233 = arith.constant 0 : index
      %swap3A_234 = vector.load %arg3[%swap3A_232, %swap3A_233] : memref<256x1024xf32, #tpu.memory_space<vmem>>, vector<16x1024xf32>
      tpu.vector_store %arg3[%swap3A_232, %swap3A_233], %sub3A_231 {strides = array<i32>} : memref<256x1024xf32, #tpu.memory_space<vmem>>, vector<16x1024xf32>,
      %slice3A_235 = vector.extract_strided_slice %mul3A_106 {offsets = [7, 0], sizes = [1, 1024], strides = [1, 1]} : vector<16x1024xf32> to vector<1x1024xf32>
      %slice3A_236 = vector.extract_strided_slice %sub3A_109 {offsets = [7, 0], sizes = [1, 1024], strides = [1, 1]} : vector<16x1024xf32> to vector<1x1024xf32>
      %mul3A_237 = vector.broadcast %slice3A_235 : vector<1x1024xf32> to vector<16x1024xf32>
      %mul3A_238 = arith.mulf %mul3A_237, %cos3A : vector<16x1024xf32>
      %mul3A_239 = vector.broadcast %slice3A_236 : vector<1x1024xf32> to vector<16x1024xf32>
      %mul3A_240 = arith.mulf %mul3A_239, %sin3A : vector<16x1024xf32>
      %add3A_241 = arith.addf %mul3A_238, %mul3A_240 : vector<16x1024xf32>
      %swap3A_242 = arith.constant 112 : index
      %swap3A_243 = arith.constant 0 : index
      %swap3A_244 = vector.load %arg2[%swap3A_242, %swap3A_243] : memref<256x1024xf32, #tpu.memory_space<vmem>>, vector<16x1024xf32>
      tpu.vector_store %arg2[%swap3A_242, %swap3A_243], %add3A_241 {strides = array<i32>} : memref<256x1024xf32, #tpu.memory_space<vmem>>, vector<16x1024xf32>,
      %mul3A_245 = vector.broadcast %slice3A_236 : vector<1x1024xf32> to vector<16x1024xf32>
      %mul3A_246 = arith.mulf %mul3A_245, %cos3A : vector<16x1024xf32>
      %mul3A_247 = vector.broadcast %slice3A_235 : vector<1x1024xf32> to vector<16x1024xf32>
      %mul3A_248 = arith.mulf %mul3A_247, %sin3A : vector<16x1024xf32>
      %sub3A_249 = arith.subf %mul3A_246, %mul3A_248 : vector<16x1024xf32>
      %swap3A_250 = arith.constant 112 : index
      %swap3A_251 = arith.constant 0 : index
      %swap3A_252 = vector.load %arg3[%swap3A_250, %swap3A_251] : memref<256x1024xf32, #tpu.memory_space<vmem>>, vector<16x1024xf32>
      tpu.vector_store %arg3[%swap3A_250, %swap3A_251], %sub3A_249 {strides = array<i32>} : memref<256x1024xf32, #tpu.memory_space<vmem>>, vector<16x1024xf32>,
      %slice3A_253 = vector.extract_strided_slice %mul3A_106 {offsets = [8, 0], sizes = [1, 1024], strides = [1, 1]} : vector<16x1024xf32> to vector<1x1024xf32>
      %slice3A_254 = vector.extract_strided_slice %sub3A_109 {offsets = [8, 0], sizes = [1, 1024], strides = [1, 1]} : vector<16x1024xf32> to vector<1x1024xf32>
      %mul3A_255 = vector.broadcast %slice3A_253 : vector<1x1024xf32> to vector<16x1024xf32>
      %mul3A_256 = arith.mulf %mul3A_255, %cos3A : vector<16x1024xf32>
      %mul3A_257 = vector.broadcast %slice3A_254 : vector<1x1024xf32> to vector<16x1024xf32>
      %mul3A_258 = arith.mulf %mul3A_257, %sin3A : vector<16x1024xf32>
      %add3A_259 = arith.addf %mul3A_256, %mul3A_258 : vector<16x1024xf32>
      %swap3A_260 = arith.constant 128 : index
      %swap3A_261 = arith.constant 0 : index
      %swap3A_262 = vector.load %arg2[%swap3A_260, %swap3A_261] : memref<256x1024xf32, #tpu.memory_space<vmem>>, vector<16x1024xf32>
      tpu.vector_store %arg2[%swap3A_260, %swap3A_261], %add3A_259 {strides = array<i32>} : memref<256x1024xf32, #tpu.memory_space<vmem>>, vector<16x1024xf32>,
      %mul3A_263 = vector.broadcast %slice3A_254 : vector<1x1024xf32> to vector<16x1024xf32>
      %mul3A_264 = arith.mulf %mul3A_263, %cos3A : vector<16x1024xf32>
      %mul3A_265 = vector.broadcast %slice3A_253 : vector<1x1024xf32> to vector<16x1024xf32>
      %mul3A_266 = arith.mulf %mul3A_265, %sin3A : vector<16x1024xf32>
      %sub3A_267 = arith.subf %mul3A_264, %mul3A_266 : vector<16x1024xf32>
      %swap3A_268 = arith.constant 128 : index
      %swap3A_269 = arith.constant 0 : index
      %swap3A_270 = vector.load %arg3[%swap3A_268, %swap3A_269] : memref<256x1024xf32, #tpu.memory_space<vmem>>, vector<16x1024xf32>
      tpu.vector_store %arg3[%swap3A_268, %swap3A_269], %sub3A_267 {strides = array<i32>} : memref<256x1024xf32, #tpu.memory_space<vmem>>, vector<16x1024xf32>,
      %slice3A_271 = vector.extract_strided_slice %mul3A_106 {offsets = [9, 0], sizes = [1, 1024], strides = [1, 1]} : vector<16x1024xf32> to vector<1x1024xf32>
      %slice3A_272 = vector.extract_strided_slice %sub3A_109 {offsets = [9, 0], sizes = [1, 1024], strides = [1, 1]} : vector<16x1024xf32> to vector<1x1024xf32>
      %mul3A_273 = vector.broadcast %slice3A_271 : vector<1x1024xf32> to vector<16x1024xf32>
      %mul3A_274 = arith.mulf %mul3A_273, %cos3A : vector<16x1024xf32>
      %mul3A_275 = vector.broadcast %slice3A_272 : vector<1x1024xf32> to vector<16x1024xf32>
      %mul3A_276 = arith.mulf %mul3A_275, %sin3A : vector<16x1024xf32>
      %add3A_277 = arith.addf %mul3A_274, %mul3A_276 : vector<16x1024xf32>
      %swap3A_278 = arith.constant 144 : index
      %swap3A_279 = arith.constant 0 : index
      %swap3A_280 = vector.load %arg2[%swap3A_278, %swap3A_279] : memref<256x1024xf32, #tpu.memory_space<vmem>>, vector<16x1024xf32>
      tpu.vector_store %arg2[%swap3A_278, %swap3A_279], %add3A_277 {strides = array<i32>} : memref<256x1024xf32, #tpu.memory_space<vmem>>, vector<16x1024xf32>,
      %mul3A_281 = vector.broadcast %slice3A_272 : vector<1x1024xf32> to vector<16x1024xf32>
      %mul3A_282 = arith.mulf %mul3A_281, %cos3A : vector<16x1024xf32>
      %mul3A_283 = vector.broadcast %slice3A_271 : vector<1x1024xf32> to vector<16x1024xf32>
      %mul3A_284 = arith.mulf %mul3A_283, %sin3A : vector<16x1024xf32>
      %sub3A_285 = arith.subf %mul3A_282, %mul3A_284 : vector<16x1024xf32>
      %swap3A_286 = arith.constant 144 : index
      %swap3A_287 = arith.constant 0 : index
      %swap3A_288 = vector.load %arg3[%swap3A_286, %swap3A_287] : memref<256x1024xf32, #tpu.memory_space<vmem>>, vector<16x1024xf32>
      tpu.vector_store %arg3[%swap3A_286, %swap3A_287], %sub3A_285 {strides = array<i32>} : memref<256x1024xf32, #tpu.memory_space<vmem>>, vector<16x1024xf32>,
      %slice3A_289 = vector.extract_strided_slice %mul3A_106 {offsets = [10, 0], sizes = [1, 1024], strides = [1, 1]} : vector<16x1024xf32> to vector<1x1024xf32>
      %slice3A_290 = vector.extract_strided_slice %sub3A_109 {offsets = [10, 0], sizes = [1, 1024], strides = [1, 1]} : vector<16x1024xf32> to vector<1x1024xf32>
      %mul3A_291 = vector.broadcast %slice3A_289 : vector<1x1024xf32> to vector<16x1024xf32>
      %mul3A_292 = arith.mulf %mul3A_291, %cos3A : vector<16x1024xf32>
      %mul3A_293 = vector.broadcast %slice3A_290 : vector<1x1024xf32> to vector<16x1024xf32>
      %mul3A_294 = arith.mulf %mul3A_293, %sin3A : vector<16x1024xf32>
      %add3A_295 = arith.addf %mul3A_292, %mul3A_294 : vector<16x1024xf32>
      %swap3A_296 = arith.constant 160 : index
      %swap3A_297 = arith.constant 0 : index
      %swap3A_298 = vector.load %arg2[%swap3A_296, %swap3A_297] : memref<256x1024xf32, #tpu.memory_space<vmem>>, vector<16x1024xf32>
      tpu.vector_store %arg2[%swap3A_296, %swap3A_297], %add3A_295 {strides = array<i32>} : memref<256x1024xf32, #tpu.memory_space<vmem>>, vector<16x1024xf32>,
      %mul3A_299 = vector.broadcast %slice3A_290 : vector<1x1024xf32> to vector<16x1024xf32>
      %mul3A_300 = arith.mulf %mul3A_299, %cos3A : vector<16x1024xf32>
      %mul3A_301 = vector.broadcast %slice3A_289 : vector<1x1024xf32> to vector<16x1024xf32>
      %mul3A_302 = arith.mulf %mul3A_301, %sin3A : vector<16x1024xf32>
      %sub3A_303 = arith.subf %mul3A_300, %mul3A_302 : vector<16x1024xf32>
      %swap3A_304 = arith.constant 160 : index
      %swap3A_305 = arith.constant 0 : index
      %swap3A_306 = vector.load %arg3[%swap3A_304, %swap3A_305] : memref<256x1024xf32, #tpu.memory_space<vmem>>, vector<16x1024xf32>
      tpu.vector_store %arg3[%swap3A_304, %swap3A_305], %sub3A_303 {strides = array<i32>} : memref<256x1024xf32, #tpu.memory_space<vmem>>, vector<16x1024xf32>,
      %slice3A_307 = vector.extract_strided_slice %mul3A_106 {offsets = [11, 0], sizes = [1, 1024], strides = [1, 1]} : vector<16x1024xf32> to vector<1x1024xf32>
      %slice3A_308 = vector.extract_strided_slice %sub3A_109 {offsets = [11, 0], sizes = [1, 1024], strides = [1, 1]} : vector<16x1024xf32> to vector<1x1024xf32>
      %mul3A_309 = vector.broadcast %slice3A_307 : vector<1x1024xf32> to vector<16x1024xf32>
      %mul3A_310 = arith.mulf %mul3A_309, %cos3A : vector<16x1024xf32>
      %mul3A_311 = vector.broadcast %slice3A_308 : vector<1x1024xf32> to vector<16x1024xf32>
      %mul3A_312 = arith.mulf %mul3A_311, %sin3A : vector<16x1024xf32>
      %add3A_313 = arith.addf %mul3A_310, %mul3A_312 : vector<16x1024xf32>
      %swap3A_314 = arith.constant 176 : index
      %swap3A_315 = arith.constant 0 : index
      %swap3A_316 = vector.load %arg2[%swap3A_314, %swap3A_315] : memref<256x1024xf32, #tpu.memory_space<vmem>>, vector<16x1024xf32>
      tpu.vector_store %arg2[%swap3A_314, %swap3A_315], %add3A_313 {strides = array<i32>} : memref<256x1024xf32, #tpu.memory_space<vmem>>, vector<16x1024xf32>,
      %mul3A_317 = vector.broadcast %slice3A_308 : vector<1x1024xf32> to vector<16x1024xf32>
      %mul3A_318 = arith.mulf %mul3A_317, %cos3A : vector<16x1024xf32>
      %mul3A_319 = vector.broadcast %slice3A_307 : vector<1x1024xf32> to vector<16x1024xf32>
      %mul3A_320 = arith.mulf %mul3A_319, %sin3A : vector<16x1024xf32>
      %sub3A_321 = arith.subf %mul3A_318, %mul3A_320 : vector<16x1024xf32>
      %swap3A_322 = arith.constant 176 : index
      %swap3A_323 = arith.constant 0 : index
      %swap3A_324 = vector.load %arg3[%swap3A_322, %swap3A_323] : memref<256x1024xf32, #tpu.memory_space<vmem>>, vector<16x1024xf32>
      tpu.vector_store %arg3[%swap3A_322, %swap3A_323], %sub3A_321 {strides = array<i32>} : memref<256x1024xf32, #tpu.memory_space<vmem>>, vector<16x1024xf32>,
      %slice3A_325 = vector.extract_strided_slice %mul3A_106 {offsets = [12, 0], sizes = [1, 1024], strides = [1, 1]} : vector<16x1024xf32> to vector<1x1024xf32>
      %slice3A_326 = vector.extract_strided_slice %sub3A_109 {offsets = [12, 0], sizes = [1, 1024], strides = [1, 1]} : vector<16x1024xf32> to vector<1x1024xf32>
      %mul3A_327 = vector.broadcast %slice3A_325 : vector<1x1024xf32> to vector<16x1024xf32>
      %mul3A_328 = arith.mulf %mul3A_327, %cos3A : vector<16x1024xf32>
      %mul3A_329 = vector.broadcast %slice3A_326 : vector<1x1024xf32> to vector<16x1024xf32>
      %mul3A_330 = arith.mulf %mul3A_329, %sin3A : vector<16x1024xf32>
      %add3A_331 = arith.addf %mul3A_328, %mul3A_330 : vector<16x1024xf32>
      %swap3A_332 = arith.constant 192 : index
      %swap3A_333 = arith.constant 0 : index
      %swap3A_334 = vector.load %arg2[%swap3A_332, %swap3A_333] : memref<256x1024xf32, #tpu.memory_space<vmem>>, vector<16x1024xf32>
      tpu.vector_store %arg2[%swap3A_332, %swap3A_333], %add3A_331 {strides = array<i32>} : memref<256x1024xf32, #tpu.memory_space<vmem>>, vector<16x1024xf32>,
      %mul3A_335 = vector.broadcast %slice3A_326 : vector<1x1024xf32> to vector<16x1024xf32>
      %mul3A_336 = arith.mulf %mul3A_335, %cos3A : vector<16x1024xf32>
      %mul3A_337 = vector.broadcast %slice3A_325 : vector<1x1024xf32> to vector<16x1024xf32>
      %mul3A_338 = arith.mulf %mul3A_337, %sin3A : vector<16x1024xf32>
      %sub3A_339 = arith.subf %mul3A_336, %mul3A_338 : vector<16x1024xf32>
      %swap3A_340 = arith.constant 192 : index
      %swap3A_341 = arith.constant 0 : index
      %swap3A_342 = vector.load %arg3[%swap3A_340, %swap3A_341] : memref<256x1024xf32, #tpu.memory_space<vmem>>, vector<16x1024xf32>
      tpu.vector_store %arg3[%swap3A_340, %swap3A_341], %sub3A_339 {strides = array<i32>} : memref<256x1024xf32, #tpu.memory_space<vmem>>, vector<16x1024xf32>,
      %slice3A_343 = vector.extract_strided_slice %mul3A_106 {offsets = [13, 0], sizes = [1, 1024], strides = [1, 1]} : vector<16x1024xf32> to vector<1x1024xf32>
      %slice3A_344 = vector.extract_strided_slice %sub3A_109 {offsets = [13, 0], sizes = [1, 1024], strides = [1, 1]} : vector<16x1024xf32> to vector<1x1024xf32>
      %mul3A_345 = vector.broadcast %slice3A_343 : vector<1x1024xf32> to vector<16x1024xf32>
      %mul3A_346 = arith.mulf %mul3A_345, %cos3A : vector<16x1024xf32>
      %mul3A_347 = vector.broadcast %slice3A_344 : vector<1x1024xf32> to vector<16x1024xf32>
      %mul3A_348 = arith.mulf %mul3A_347, %sin3A : vector<16x1024xf32>
      %add3A_349 = arith.addf %mul3A_346, %mul3A_348 : vector<16x1024xf32>
      %swap3A_350 = arith.constant 208 : index
      %swap3A_351 = arith.constant 0 : index
      %swap3A_352 = vector.load %arg2[%swap3A_350, %swap3A_351] : memref<256x1024xf32, #tpu.memory_space<vmem>>, vector<16x1024xf32>
      tpu.vector_store %arg2[%swap3A_350, %swap3A_351], %add3A_349 {strides = array<i32>} : memref<256x1024xf32, #tpu.memory_space<vmem>>, vector<16x1024xf32>,
      %mul3A_353 = vector.broadcast %slice3A_344 : vector<1x1024xf32> to vector<16x1024xf32>
      %mul3A_354 = arith.mulf %mul3A_353, %cos3A : vector<16x1024xf32>
      %mul3A_355 = vector.broadcast %slice3A_343 : vector<1x1024xf32> to vector<16x1024xf32>
      %mul3A_356 = arith.mulf %mul3A_355, %sin3A : vector<16x1024xf32>
      %sub3A_357 = arith.subf %mul3A_354, %mul3A_356 : vector<16x1024xf32>
      %swap3A_358 = arith.constant 208 : index
      %swap3A_359 = arith.constant 0 : index
      %swap3A_360 = vector.load %arg3[%swap3A_358, %swap3A_359] : memref<256x1024xf32, #tpu.memory_space<vmem>>, vector<16x1024xf32>
      tpu.vector_store %arg3[%swap3A_358, %swap3A_359], %sub3A_357 {strides = array<i32>} : memref<256x1024xf32, #tpu.memory_space<vmem>>, vector<16x1024xf32>,
      %slice3A_361 = vector.extract_strided_slice %mul3A_106 {offsets = [14, 0], sizes = [1, 1024], strides = [1, 1]} : vector<16x1024xf32> to vector<1x1024xf32>
      %slice3A_362 = vector.extract_strided_slice %sub3A_109 {offsets = [14, 0], sizes = [1, 1024], strides = [1, 1]} : vector<16x1024xf32> to vector<1x1024xf32>
      %mul3A_363 = vector.broadcast %slice3A_361 : vector<1x1024xf32> to vector<16x1024xf32>
      %mul3A_364 = arith.mulf %mul3A_363, %cos3A : vector<16x1024xf32>
      %mul3A_365 = vector.broadcast %slice3A_362 : vector<1x1024xf32> to vector<16x1024xf32>
      %mul3A_366 = arith.mulf %mul3A_365, %sin3A : vector<16x1024xf32>
      %add3A_367 = arith.addf %mul3A_364, %mul3A_366 : vector<16x1024xf32>
      %swap3A_368 = arith.constant 224 : index
      %swap3A_369 = arith.constant 0 : index
      %swap3A_370 = vector.load %arg2[%swap3A_368, %swap3A_369] : memref<256x1024xf32, #tpu.memory_space<vmem>>, vector<16x1024xf32>
      tpu.vector_store %arg2[%swap3A_368, %swap3A_369], %add3A_367 {strides = array<i32>} : memref<256x1024xf32, #tpu.memory_space<vmem>>, vector<16x1024xf32>,
      %mul3A_371 = vector.broadcast %slice3A_362 : vector<1x1024xf32> to vector<16x1024xf32>
      %mul3A_372 = arith.mulf %mul3A_371, %cos3A : vector<16x1024xf32>
      %mul3A_373 = vector.broadcast %slice3A_361 : vector<1x1024xf32> to vector<16x1024xf32>
      %mul3A_374 = arith.mulf %mul3A_373, %sin3A : vector<16x1024xf32>
      %sub3A_375 = arith.subf %mul3A_372, %mul3A_374 : vector<16x1024xf32>
      %swap3A_376 = arith.constant 224 : index
      %swap3A_377 = arith.constant 0 : index
      %swap3A_378 = vector.load %arg3[%swap3A_376, %swap3A_377] : memref<256x1024xf32, #tpu.memory_space<vmem>>, vector<16x1024xf32>
      tpu.vector_store %arg3[%swap3A_376, %swap3A_377], %sub3A_375 {strides = array<i32>} : memref<256x1024xf32, #tpu.memory_space<vmem>>, vector<16x1024xf32>,
      %slice3A_379 = vector.extract_strided_slice %mul3A_106 {offsets = [15, 0], sizes = [1, 1024], strides = [1, 1]} : vector<16x1024xf32> to vector<1x1024xf32>
      %slice3A_380 = vector.extract_strided_slice %sub3A_109 {offsets = [15, 0], sizes = [1, 1024], strides = [1, 1]} : vector<16x1024xf32> to vector<1x1024xf32>
      %mul3A_381 = vector.broadcast %slice3A_379 : vector<1x1024xf32> to vector<16x1024xf32>
      %mul3A_382 = arith.mulf %mul3A_381, %cos3A : vector<16x1024xf32>
      %mul3A_383 = vector.broadcast %slice3A_380 : vector<1x1024xf32> to vector<16x1024xf32>
      %mul3A_384 = arith.mulf %mul3A_383, %sin3A : vector<16x1024xf32>
      %add3A_385 = arith.addf %mul3A_382, %mul3A_384 : vector<16x1024xf32>
      %swap3A_386 = arith.constant 240 : index
      %swap3A_387 = arith.constant 0 : index
      %swap3A_388 = vector.load %arg2[%swap3A_386, %swap3A_387] : memref<256x1024xf32, #tpu.memory_space<vmem>>, vector<16x1024xf32>
      tpu.vector_store %arg2[%swap3A_386, %swap3A_387], %add3A_385 {strides = array<i32>} : memref<256x1024xf32, #tpu.memory_space<vmem>>, vector<16x1024xf32>,
      %mul3A_389 = vector.broadcast %slice3A_380 : vector<1x1024xf32> to vector<16x1024xf32>
      %mul3A_390 = arith.mulf %mul3A_389, %cos3A : vector<16x1024xf32>
      %mul3A_391 = vector.broadcast %slice3A_379 : vector<1x1024xf32> to vector<16x1024xf32>
      %mul3A_392 = arith.mulf %mul3A_391, %sin3A : vector<16x1024xf32>
      %sub3A_393 = arith.subf %mul3A_390, %mul3A_392 : vector<16x1024xf32>
      %swap3A_394 = arith.constant 240 : index
      %swap3A_395 = arith.constant 0 : index
      %swap3A_396 = vector.load %arg3[%swap3A_394, %swap3A_395] : memref<256x1024xf32, #tpu.memory_space<vmem>>, vector<16x1024xf32>
      tpu.vector_store %arg3[%swap3A_394, %swap3A_395], %sub3A_393 {strides = array<i32>} : memref<256x1024xf32, #tpu.memory_space<vmem>>, vector<16x1024xf32>,
      %mul3A_397 = arith.constant 2.000000e+00 : f32
      %mul3A_398 = vector.broadcast %mul3A_397 : f32 to vector<16x1024xf32>
      %mul3A_399 = arith.mulf %mul3A_398, %mul3A_106 : vector<16x1024xf32>
      %mul3A_400 = arith.mulf %mul3A_399, %sub3A_109 : vector<16x1024xf32>
      %mul3A_401 = arith.mulf %sub3A_109, %sub3A_109 : vector<16x1024xf32>
      %mul3A_402 = arith.mulf %mul3A_106, %mul3A_106 : vector<16x1024xf32>
      %sub3A_403 = arith.subf %mul3A_401, %mul3A_402 : vector<16x1024xf32>
      %mul3A_404 = arith.constant 2.000000e+00 : f32
      %mul3A_405 = vector.broadcast %mul3A_404 : f32 to vector<16x1024xf32>
      %mul3A_406 = arith.mulf %mul3A_405, %mul3A_400 : vector<16x1024xf32>
      %mul3A_407 = arith.mulf %mul3A_406, %sub3A_403 : vector<16x1024xf32>
      %mul3A_408 = arith.mulf %sub3A_403, %sub3A_403 : vector<16x1024xf32>
      %mul3A_409 = arith.mulf %mul3A_400, %mul3A_400 : vector<16x1024xf32>
      %sub3A_410 = arith.subf %mul3A_408, %mul3A_409 : vector<16x1024xf32>
      %mul3A_411 = arith.constant 2.000000e+00 : f32
      %mul3A_412 = vector.broadcast %mul3A_411 : f32 to vector<16x1024xf32>
      %mul3A_413 = arith.mulf %mul3A_412, %mul3A_407 : vector<16x1024xf32>
      %mul3A_414 = arith.mulf %mul3A_413, %sub3A_410 : vector<16x1024xf32>
      %mul3A_415 = arith.mulf %sub3A_410, %sub3A_410 : vector<16x1024xf32>
      %mul3A_416 = arith.mulf %mul3A_407, %mul3A_407 : vector<16x1024xf32>
      %sub3A_417 = arith.subf %mul3A_415, %mul3A_416 : vector<16x1024xf32>
      %mul3A_418 = arith.constant 2.000000e+00 : f32
      %mul3A_419 = vector.broadcast %mul3A_418 : f32 to vector<16x1024xf32>
      %mul3A_420 = arith.mulf %mul3A_419, %mul3A_414 : vector<16x1024xf32>
      %mul3A_421 = arith.mulf %mul3A_420, %sub3A_417 : vector<16x1024xf32>
      %mul3A_422 = arith.mulf %sub3A_417, %sub3A_417 : vector<16x1024xf32>
      %mul3A_423 = arith.mulf %mul3A_414, %mul3A_414 : vector<16x1024xf32>
      %sub3A_424 = arith.subf %mul3A_422, %mul3A_423 : vector<16x1024xf32>
      %neg3A = arith.constant 0.000000e+00 : f32
      %neg3A_425 = vector.broadcast %neg3A : f32 to vector<16x1024xf32>
      %neg3A_426 = arith.subf %neg3A_425, %mul3A_421 : vector<16x1024xf32>
      %select_n3A_427 = arith.select %eq3A_52, %sub3A_424, %neg3A_426 : vector<16x1024xi1>, vector<16x1024xf32>
      %swap3A_428 = arith.constant 0 : index
      %swap3A_429 = arith.constant 0 : index
      %swap3A_430 = vector.load %arg4[%swap3A_428, %swap3A_429] : memref<16x1024xf32, #tpu.memory_space<vmem>>, vector<16x1024xf32>
      tpu.vector_store %arg4[%swap3A_428, %swap3A_429], %select_n3A_427 {strides = array<i32>} : memref<16x1024xf32, #tpu.memory_space<vmem>>, vector<16x1024xf32>,
      %select_n3A_431 = arith.select %eq3A_52, %mul3A_421, %sub3A_424 : vector<16x1024xi1>, vector<16x1024xf32>
      %swap3A_432 = arith.constant 0 : index
      %swap3A_433 = arith.constant 0 : index
      %swap3A_434 = vector.load %arg5[%swap3A_432, %swap3A_433] : memref<16x1024xf32, #tpu.memory_space<vmem>>, vector<16x1024xf32>
      tpu.vector_store %arg5[%swap3A_432, %swap3A_433], %select_n3A_431 {strides = array<i32>} : memref<16x1024xf32, #tpu.memory_space<vmem>>, vector<16x1024xf32>,
    } else {
    }
    %jit3A = arith.constant 16 : i32
    %eq3A_2 = arith.constant 0 : i32
    %eq3A_3 = arith.cmpi eq, %jit3A, %eq3A_2 : i32
    %jit3A_4 = arith.constant 1 : i32
    %select_n3A = arith.select %eq3A_3, %jit3A_4, %jit3A : i32
    %rem3A = arith.remsi %arg0, %select_n3A : i32
    %ne3A = arith.constant 0 : i32
    %ne3A_5 = arith.cmpi ne, %rem3A, %ne3A : i32
    %lt3A = arith.constant 0 : i32
    %lt3A_6 = arith.cmpi slt, %rem3A, %lt3A : i32
    %lt3A_7 = arith.constant 0 : i32
    %lt3A_8 = arith.cmpi slt, %select_n3A, %lt3A_7 : i32
    %ne3A_9 = arith.xori %lt3A_6, %lt3A_8 : i1
    %and3A = arith.andi %ne3A_9, %ne3A_5 : i1
    %add3A = arith.addi %rem3A, %select_n3A : i32
    %select_n3A_10 = arith.select %and3A, %add3A, %rem3A : i32
    %get3A = arith.index_cast %select_n3A_10 : i32 to index
    %get3A_11 = arith.constant 0 : index
    %get3A_12 = vector.load %arg4[%get3A, %get3A_11] : memref<16x1024xf32, #tpu.memory_space<vmem>>, vector<1x1024xf32>
    %get3A_13 = arith.index_cast %select_n3A_10 : i32 to index
    %get3A_14 = arith.constant 0 : index
    %get3A_15 = vector.load %arg5[%get3A_13, %get3A_14] : memref<16x1024xf32, #tpu.memory_space<vmem>>, vector<1x1024xf32>
    %get3A_16 = arith.constant 0 : index
    %get3A_17 = arith.constant 0 : index
    %get3A_18 = vector.load %arg2[%get3A_16, %get3A_17] : memref<256x1024xf32, #tpu.memory_space<vmem>>, vector<256x1024xf32>
    %mul3A = vector.broadcast %get3A_12 : vector<1x1024xf32> to vector<256x1024xf32>
    %mul3A_19 = arith.mulf %get3A_18, %mul3A : vector<256x1024xf32>
    %get3A_20 = arith.constant 0 : index
    %get3A_21 = arith.constant 0 : index
    %get3A_22 = vector.load %arg3[%get3A_20, %get3A_21] : memref<256x1024xf32, #tpu.memory_space<vmem>>, vector<256x1024xf32>
    %mul3A_23 = vector.broadcast %get3A_15 : vector<1x1024xf32> to vector<256x1024xf32>
    %mul3A_24 = arith.mulf %get3A_22, %mul3A_23 : vector<256x1024xf32>
    %add3A_25 = arith.addf %mul3A_19, %mul3A_24 : vector<256x1024xf32>
    %swap3A = arith.constant 0 : index
    %swap3A_26 = arith.constant 0 : index
    %swap3A_27 = vector.load %arg1[%swap3A, %swap3A_26] : memref<256x1024xf32, #tpu.memory_space<vmem>>, vector<256x1024xf32>
    tpu.vector_store %arg1[%swap3A, %swap3A_26], %add3A_25 {strides = array<i32>} : memref<256x1024xf32, #tpu.memory_space<vmem>>, vector<256x1024xf32>,
    return
  }
  func.func @transform_0(%arg0: i32) -> (i32, i32) {
    %c0_i32 = arith.constant 0 : i32
    %c0_i32_0 = arith.constant 0 : i32
    return %arg0, %c0_i32 : i32, i32
  }
}

</mosaic_0001>

<sc_bundles>
// kernel: kernel.4.cloned.1.call-start
scs
__scs_entry_jumppad:
0x0: {  	(pc) =	sbr.rel $0x88, $3  }
0x1: {  	(tag) =	ssettag $0x0;
	lr =	simm.s32 $0x1  }
0x2: {  	[smem:$0x3FA0] =	sst lr;
	_ =	strace $0xD0000000  }
0x3: {  	_ = 	snop  }
0x4: {  	_ = 	snop  }
0x5: {  	_ = 	snop  }
0x6: {  	_ = 	snop  }
0x7: {  	_ = 	snop  }
__scs_overlays_trampoline_lowered:
0x8: {  	[smem:$0x3FAF] =	sst s0  }
0x9: {  	[smem:$0x3FB0] =	sst s1  }
0xa: {  	[smem:$0x3FB1] =	sst s2  }
0xb: {  	[smem:$0x3FB2] =	sst s3  }
0xc: {  	[smem:$0x3FB3] =	sst s4  }
0xd: {  	[smem:$0x3FB4] =	sst s5  }
0xe: {  	[smem:$0x3FB5] =	sst s6  }
0xf: {  	[smem:$0x3FB6] =	sst s7  }
0x10: {  	[smem:$0x3FB7] =	sst s8  }
0x11: {  	[smem:$0x3FB8] =	sst s9;
	s0 =	simm.s32 @!p0 $0x0  }
0x12: {  	s1 =	sld [smem:$0x3F9E];
	s0 =	simm.s32 @p0 $0x1  }
0x13: {  	[smem:$0x3FB9] =	sst s0;
	s0 =	simm.s32 @!p1 $0x0  }
0x14: {  	s2 =	sld [smem:$0x3F9D];
	s0 =	simm.s32 @p1 $0x1  }
0x15: {  	[smem:$0x3FBA] =	sst s0;
	s0 =	simm.s32 @!p2 $0x0  }
0x16: {  	s3 =	sld [smem:$0x3FDB];
	s0 =	simm.s32 @p2 $0x1  }
0x17: {  	s4 =	simm.s32 $0x1BF5;
	[smem:$0x3FBC] =	sst s0  }
0x18: {  	s0 =	sld [smem:$0x3F9F];
	_ =	swait.ge [sflag:s4], $0x0  }
0x19: {  	s7 =	sld [smem:$0x3FA0]  }
0x1a: {  	s8 =	sadd.s32 $0xFFFFE003, lr  }
0x1b: {  	s9 =	sadd.s32 $0xFFFFFEF7, lr;
	s5 =	simm.s32 $0xFFFFFFFF;
	p2 =	slt.u32 s8, $0xFFFFF086  }
0x1c: {  	p1 =	slt.u32 s9, $0xF7A;
	s5 =	simm.s32 @!p2 $0x0  }
0x1d: {  	s5 =	simm.s32 @p1 $0x1;
	p0 =	seq.s32 s7, s2  }
0x1e: {  	s7 =	smul.u32 @!p0 $0xF7A, s2;
	p2 =	seq.s32 @!p0 s5, $0x0  }
0x1f: {  	s9 =	smul.u32 $0xF7A, s1;
	s8 =	simm.s32 @!p0 $0x1BF5;
	p2 =	por !p2, p0  }
0x20: {  	[sflag:s8] =	ssyncset.s32 @!p0 $0xFFFFF086;
	s6 =	sadd.s32 @!p0 s3, s7;
	s7 =	simm.s32 @!p0 $0x108  }
0x21: {  	s3 =	sadd.s32 s3, s9;
	s6 =	sadd.s32 @!p0 $0x88, s6;
	s7 =	simm.s32 @p2 $0x1082  }
0x22: {  	[simem:s7], [sflag:s8] =	dma.local @!p0 [hbm:s6], $0xF7A  }
0x23: {  	s9 =	sor.u32 $0xD0000000, s2;
	s6 =	simm.s32 $0x108;
	_ =	swait.ge @!p0 [sflag:s8], $0x0  }
0x24: {  	s3 =	sadd.s32 $0x88, s3;
	s6 =	simm.s32 @!p1 $0x1082;
	[sflag:s4] =	ssyncset.s32 $0xFFFFF086  }
0x25: {  	[simem:s6], [sflag:s4] =	dma.local [hbm:s3], $0xF7A  }
0x26: {  	[smem:$0x3FA0] =	sst s1;
	(tag) =	ssettag s2;
	_ =	strace s9  }
0x27: {  	s1 =	sld [smem:$0x3FB0]  }
0x28: {  	s2 =	sld [smem:$0x3FB1]  }
0x29: {  	s4 =	sld [smem:$0x3FB3]  }
0x2a: {  	p0 =	seq.s32 s5, $0x0;
	s5 =	sld [smem:$0x3FB4]  }
0x2b: {  	s6 =	sld [smem:$0x3FB5]  }
0x2c: {  	s7 =	sld [smem:$0x3FB6]  }
0x2d: {  	s3 =	simm.s32 $0x108;
	s8 =	sld [smem:$0x3FB7]  }
0x2e: {  	s3 =	simm.s32 @!p0 $0x1082;
	s9 =	sld [smem:$0x3FB8]  }
0x2f: {  	lr =	sadd.s32 s0, s3;
	s0 =	sld [smem:$0x3FAF]  }
0x30: {  	s3 =	sld [smem:$0x3FB2]  }
0x31: {  	[smem:$0x3FBB] =	sst s10  }
0x32: {  	s10 =	sld [smem:$0x3FB9];
	_ =	sdelay $0x3  }
0x33: {  	p0 =	seq.s32 s10, $0x1;
	s10 =	sld [smem:$0x3FBB];
	_ =	sdelay $0x3  }
0x34: {  	[smem:$0x3FBB] =	sst s10  }
0x35: {  	s10 =	sld [smem:$0x3FBA];
	_ =	sdelay $0x3  }
0x36: {  	p1 =	seq.s32 s10, $0x1;
	s10 =	sld [smem:$0x3FBB];
	_ =	sdelay $0x3  }
0x37: {  	[smem:$0x3FBB] =	sst s10  }
0x38: {  	s10 =	sld [smem:$0x3FBC]  }
0x39: {  	_ = 	snop;
	(pc) =	sbr.ind lr, $3  }
0x3a: {  	_ = 	snop  }
0x3b: {  	_ = 	snop  }
0x3c: {  	p2 =	seq.s32 s10, $0x1;
	s10 =	sld [smem:$0x3FBB]  }
0x3d: {  	_ =	shalt  }
0x3e: {  	_ =	shalt  }
0x3f: {  	_ =	shalt  }
0x40: {  	_ =	shalt  }
0x41: {  	_ =	shalt  }
0x42: {  	_ =	shalt  }
0x43: {  	_ =	shalt  }
0x44: {  	_ =	shalt  }
0x45: {  	_ =	shalt  }
0x46: {  	_ =	shalt  }
0x47: {  	_ =	shalt  }
0x48: {  	_ =	shalt  }
0x49: {  	_ =	shalt  }
0x4a: {  	_ =	shalt  }
0x4b: {  	_ =	shalt  }
0x4c: {  	_ =	shalt  }
0x4d: {  	_ =	shalt  }
0x4e: {  	_ =	shalt  }
0x4f: {  	_ =	shalt  }
0x50: {  	_ =	shalt  }
0x51: {  	_ =	shalt  }
0x52: {  	_ =	shalt  }
0x53: {  	_ =	shalt  }
0x54: {  	_ =	shalt  }
0x55: {  	_ =	shalt  }
0x56: {  	_ =	shalt  }
0x57: {  	_ =	shalt  }
0x58: {  	_ =	shalt  }
0x59: {  	_ =	shalt  }
0x5a: {  	_ =	shalt  }
0x5b: {  	_ =	shalt  }
0x5c: {  	_ =	shalt  }
0x5d: {  	_ =	shalt  }
0x5e: {  	_ =	shalt  }
0x5f: {  	_ =	shalt  }
0x60: {  	_ =	shalt  }
0x61: {  	_ =	shalt  }
0x62: {  	_ =	shalt  }
0x63: {  	_ =	shalt  }
0x64: {  	_ =	shalt  }
0x65: {  	_ =	shalt  }
0x66: {  	_ =	shalt  }
0x67: {  	_ =	shalt  }
0x68: {  	_ =	shalt  }
0x69: {  	_ =	shalt  }
0x6a: {  	_ =	shalt  }
0x6b: {  	_ =	shalt  }
0x6c: {  	_ =	shalt  }
0x6d: {  	_ =	shalt  }
0x6e: {  	_ =	shalt  }
0x6f: {  	_ =	shalt  }
0x70: {  	_ =	shalt  }
0x71: {  	_ =	shalt  }
0x72: {  	_ =	shalt  }
0x73: {  	_ =	shalt  }
0x74: {  	_ =	shalt  }
0x75: {  	_ =	shalt  }
0x76: {  	_ =	shalt  }
0x77: {  	_ =	shalt  }
0x78: {  	_ =	shalt  }
0x79: {  	_ =	shalt  }
0x7a: {  	_ =	shalt  }
0x7b: {  	_ =	shalt  }
0x7c: {  	_ =	shalt  }
0x7d: {  	_ =	shalt  }
0x7e: {  	_ =	shalt  }
0x7f: {  	_ =	shalt  }
0x80: {  	_ =	shalt  }
0x81: {  	_ =	shalt  }
0x82: {  	_ =	shalt  }
0x83: {  	_ =	shalt  }
0x84: {  	_ =	shalt  }
0x85: {  	_ =	shalt  }
0x86: {  	_ =	shalt  }
0x87: {  	_ =	shalt  }
.Lfunc_end0:
.L_simem_size_0:
called_computation.1_lowered:
.L_overlay_start_0:
0x88: {  	s2 =	sld [smem:$0x3FD9]  }
0x89: {  	s3 =	sld [smem:$0x3FFE];
	_ =	sdelay $0x1  }
0x8a: {  	s1 =	srdreg.scid  }
0x8b: {  	s0 =	sand.u32 $0x1, s1  }
0x8c: {  	s17 =	sshll.u32 s0, $0xA;
	s2 =	sadd.s32 s3, s2  }
0x8d: {  	s2 =	sadd.s32 s2, s17  }
0x8e: {  	[smem:$0x3FC7] =	sst s2  }
0x8f: {  	_ = 	snop  }
0x90: {  	s2 =	sld [smem:$0x3FD0];
	(tm) =	ssettm $0x1  }
0x91: {  	s18 =	sld [smem:$0x3FFB];
	_ =	sdelay $0x3  }
0x92: {  	_ =	strace s18  }
0x93: {  	s3 =	sld [smem:$0x3FFC];
	_ =	sdelay $0x3  }
0x94: {  	_ =	strace s3  }
0x95: {  	s3 =	sld [smem:$0x3FFD];
	_ =	sdelay $0x3  }
0x96: {  	_ =	strace s3  }
0x97: {  	_ =	strace $0x8FFFFFFF  }
0x98: {  	s19 =	sld [smem:$0x3FDB];
	_ =	sdelay $0x1  }
0x99: {  	s4 =	simm.s32 $_scs_section_size  }
0x9a: {  	s5 =	simm.s32 $_size__tile_overlayer_lowered;
	s6 =	simm.s32 $_tile_overlayer_lowered  }
0x9b: {  	s22 =	simm.s32 $0x1BFF;
	s21 =	sshll.u32 s6, $0x1;
	s3 =	sadd.s32 s4, s19  }
0x9c: {  	s7 =	simm.s32 $0x0;
	s20 =	sshll.u32 s5, $0x1;
	s5 =	sadd.s32 s21, s3  }
0x9d: {  	[timem:s7], [sflag:s22] =	dma.local [hbm:s5], s20  }
0x9e: {  	_ =	swait.ge [sflag:s22], s20  }
0x9f: {  	s4 =	ssub.s32 $0x0, s20;
	[sflag:s22] =	ssyncset.done $0x0  }
0xa0: {  	[sflag:s22] =	ssyncadd.s32 s4;
	_ =	sdelay $0x1  }
0xa1: {  	s23 =	simm.s32 $0x1B8B  }
0xa2: {  	_ =	swait.ge [sflag:s23], $0x1  }
0xa3: {  	[sflag:s23] =	ssyncset.done $0x0  }
0xa4: {  	s25 =	simm.s32 $0x1B8E;
	s24 =	sld [smem:$0x3FFE];
	[sflag:s23] =	ssyncadd.s32 $0xFFFFFFFF  }
0xa5: {  	s26 =	simm.s32 $execute0_lowered;
	[smem:$0x3FD2] =	sst s25  }
0xa6: {  	s5 =	sshll.u32 s26, $0x1;
	_ =	strace $0x80000049;
	[dreg:$0x1] =	wrdreg $0xFFFFFFFF  }
0xa7: {  	s28 =	simm.s32 $_size_execute0_lowered;
	s3 =	sadd.s32 s3, s5;
	[dreg:$0x0] =	wrdreg $0x0  }
0xa8: {  	s5 =	sshll.u32 s28, $0x1;
	[dreg:$0x2] =	wrdreg s3  }
0xa9: {  	[dreg:$0x3] =	wrdreg s5  }
0xaa: {  	[dreg:$0x4] =	wrdreg $0xC0  }
0xab: {  	_ =	task [dreg:s7], $0x5FFFF  }
0xac: {  	[dreg:$0x1] =	wrdreg $0xFFFFFFFF  }
0xad: {  	[dreg:$0x0] =	wrdreg $0x60  }
0xae: {  	[dreg:$0x2] =	wrdreg s2  }
0xaf: {  	[dreg:$0x3] =	wrdreg s24  }
0xb0: {  	[dreg:$0x4] =	wrdreg $0x9  }
0xb1: {  	_ =	task.clear_ibuf [dreg:s7], $0x5FFFF;
	_ =	strace $0x90000049  }
0xb2: {  	s29 =	simm.s32 $0x9;
	_ =	strace $0x8000004B  }
0xb3: {  	_ =	swait.ge [sflag:s29], $0x1  }
0xb4: {  	[sflag:s29] =	ssyncadd.s32 $0xFFFFFFFF  }
0xb5: {  	_ =	strace $0x9000004B  }
0xb6: {  	_ =	sfence  }
0xb7: {  	s30 =	sld [smem:$0x0];
	_ =	sdelay $0x2  }
0xb8: {  	s31 =	sshll.u32 s1, $0xD;
	s1 =	sshrl.u32 s1, $0x2  }
0xb9: {  	s3 =	sand.u32 $0x4000, s31;
	s1 =	sadd.s32 s1, s30  }
0xba: {  	s0 =	sor.u32 s3, s0;
	s1 =	sshll.u32 s1, $0x11  }
0xbb: {  	s0 =	sor.u32 s1, s0  }
0xbc: {  	s0 =	sadd.s32 $0x8F2B, s0  }
0xbd: {  	[sflag:s0] =	ssyncadd.remote.s32 $0x1  }
0xbe: {  	_ =	sfence.sel $0xFFFF  }
0xbf: {  	[dreg:$0x0] =	wrdreg $0xFFFFFFFF;
	(pc) =	sbr.abs _section_cstart, $3  }
0xc0: {  	[dreg:$0x1] =	wrdreg $0xFFFFFFFF  }
0xc1: {  	_ =	task.clear_ibuf [dreg:s7], $0x2FFFF;
	_ =	strace $0x9FFFFFFF  }
0xc2: {  	(tm) =	ssettm $0x7FFFFFFF  }
0xc3: {  	_ =	shalt  }
tec
execute0_lowered:
.L_overlay_start_1:
0x0: {  	(tag) =	ssettag $0x1  }
0x1: {  	s0 =	srdreg.scid  }
0x2: {  	s1 =	stileid.u32;
	s3 =	rddreg [dreg:$0x0];
	s0 =	sand.u32 $0x1, s0  }
0x3: {  	s4 =	rddreg [dreg:$0x1];
	s1 =	sshll.u32 s1, $0x11;
	s2 =	sshll.u32 s0, $0x10  }
0x4: {  	s0 =	ssub.s32 $0x2, s0;
	s2 =	sor.u32 s2, s1;
	s1 =	simm.s32 $0x0  }
0x5: {  	s15 =	sshrl.u32 s0, $0x1;
	s5 =	sand.u32 $0x70000, s2;
	[smem:$0x7FF] =	sst s1  }
0x6: {  	s6 =	sor.u32 $0x1000, s2;
	s20 =	ssub.s32 s0, s15;
	s17 =	sor.u32 $0x2000, s2  }
0x7: {  	s22 =	sor.u32 $0x3000, s2;
	s24 =	sor.u32 $0x4000, s2;
	s26 =	sor.u32 $0x5000, s2  }
0x8: {  	s7 =	sor.u32 $0x6000, s2;
	s9 =	sor.u32 $0x7000, s2;
	s11 =	sor.u32 $0x8000, s2  }
0x9: {  	s13 =	sor.u32 $0x9000, s2;
	s15 =	sor.u32 $0xA000, s2;
	s16 =	sadd.s32 s3, s6  }
0xa: {  	s30 =	sadd.s32 s3, s2;
	s21 =	sadd.s32 s3, s17;
	[dreg:$0x3] =	wrdreg s16  }
0xb: {  	s19 =	sadd.s32 s5, s4;
	s23 =	sadd.s32 s3, s22;
	[dreg:$0x5] =	wrdreg s21  }
0xc: {  	s4 =	sadd.s32 $0x80800, s4;
	s25 =	sadd.s32 s3, s24;
	[dreg:$0x7] =	wrdreg s23  }
0xd: {  	s8 =	sadd.s32 s3, s7;
	s10 =	sadd.s32 s3, s9;
	[dreg:$0x9] =	wrdreg s25  }
0xe: {  	s12 =	sadd.s32 s3, s11;
	s14 =	sadd.s32 s3, s13;
	[dreg:$0xd] =	wrdreg s8  }
0xf: {  	s20 =	smax.u32 s20, $0x1;
	s18 =	sadd.s32 s4, s6;
	[dreg:$0xf] =	wrdreg s10  }
0x10: {  	s0 =	sadd.s32 s4, s17;
	s5 =	sadd.s32 s4, s22;
	[dreg:$0x11] =	wrdreg s12  }
0x11: {  	s6 =	sadd.s32 s3, s26;
	[dreg:$0x13] =	wrdreg s14;
	s16 =	sadd.s32 s3, s15  }
0x12: {  	s17 =	sor.u32 $0xB000, s2;
	s21 =	sor.u32 $0xC000, s2;
	[dreg:$0x4] =	wrdreg s18  }
0x13: {  	s23 =	sor.u32 $0xD000, s2;
	s25 =	sor.u32 $0xE000, s2;
	[dreg:$0x6] =	wrdreg s0  }
0x14: {  	s8 =	sadd.s32 $0x4800, s19;
	s10 =	sadd.s32 $0x6800, s19;
	[dreg:$0x8] =	wrdreg s5  }
0x15: {  	s12 =	sadd.s32 $0x8800, s19;
	s14 =	sadd.s32 $0xA800, s19;
	[dreg:$0xb] =	wrdreg s6  }
0x16: {  	s0 =	sadd.s32 s4, s24;
	s5 =	sadd.s32 s4, s26;
	[dreg:$0x15] =	wrdreg s16  }
0x17: {  	s18 =	sadd.s32 s3, s17;
	s22 =	sadd.s32 s3, s21;
	s24 =	sadd.s32 s3, s23  }
0x18: {  	s28 =	sadd.s32 s4, s23;
	s29 =	sadd.s32 s3, s25;
	[dreg:$0xa] =	wrdreg s0  }
0x19: {  	s31 =	sadd.s32 s4, s25;
	s26 =	sor.u32 $0xF000, s2;
	[dreg:$0xc] =	wrdreg s5  }
0x1a: {  	s6 =	sadd.s32 $0x2800, s19;
	s16 =	sadd.s32 $0xC800, s19;
	[dreg:$0x17] =	wrdreg s18  }
0x1b: {  	s23 =	simm.s32 $0x0;
	s0 =	sadd.s32 s4, s7;
	[dreg:$0x19] =	wrdreg s22  }
0x1c: {  	s5 =	sadd.s32 s4, s9;
	[dreg:$0x1b] =	wrdreg s24;
	s7 =	sadd.s32 $0x3800, s19  }
0x1d: {  	s9 =	sadd.s32 $0x5800, s19;
	s18 =	sadd.s32 $0xE800, s19;
	[dreg:$0xe] =	wrdreg s0  }
0x1e: {  	s22 =	simm.s32 $0x8000;
	[dreg:$0x10] =	wrdreg s5;
	s0 =	sadd.s32 s4, s11  }
0x1f: {  	s5 =	sadd.s32 s4, s13;
	s11 =	sadd.s32 $0x7800, s19;
	[dreg:$0x12] =	wrdreg s0  }
0x20: {  	s13 =	sadd.s32 $0x9800, s19;
	[dreg:$0x14] =	wrdreg s5;
	s0 =	sadd.s32 s4, s15  }
0x21: {  	s5 =	sadd.s32 s4, s17;
	s15 =	sadd.s32 $0xB800, s19;
	[dreg:$0x16] =	wrdreg s0  }
0x22: {  	s17 =	sadd.s32 $0xD800, s19;
	[dreg:$0x18] =	wrdreg s5;
	s0 =	sadd.s32 s4, s21  }
0x23: {  	s5 =	sadd.s32 $0x1800, s19;
	s21 =	simm.s32 $0x1;
	[dreg:$0x1a] =	wrdreg s0  }
0x24: {  	s0 =	sadd.s32 s4, s2;
	s2 =	sadd.s32 s3, s26;
	s3 =	sadd.s32 s4, s26  }
0x25: {  	s4 =	sadd.s32 $0x800, s19;
	s19 =	sadd.s32 $0xF800, s19;
	_ =	strace $0x8000004A  }
.LBB2_1:
0x26: {  	[tilespmem:s1], [sflag:$0x1] =	stream.linear.gather [hbm4b:s30+s1], $0x8000, $0x38;
	[tilespmem:$0x10000] =	vst v63  }
0x27: {  	_ =	swait.ge [sflag:s21], $0x8000  }
0x28: {  	[sflag:s21] =	ssyncset.done $0x0  }
0x29: {  	[sflag:s21] =	ssyncadd.s32 $0xFFFF8000  }
0x2a: {  	[tilespmem:s22], [sflag:$0x1] =	stream.linear.gather [hbm4b:s4+s1], $0x8000, $0x38;
	[tilespmem:$0x10000] =	vst v63  }
0x2b: {  	_ =	swait.ge [sflag:s21], $0x8000  }
0x2c: {  	[sflag:s21] =	ssyncset.done $0x0  }
0x2d: {  	s24 =	simm.s32 $0x0;
	[sflag:s21] =	ssyncadd.s32 $0xFFFF8000  }
0x2e: {  	s25 =	simm.s32 $0x40;
	v0 =	vld [tilespmem:s24+$0x8000]  }
.LBB2_2:
0x2f: {  	p0 =	sne.s32 s25, $0x1FFC0;
	v1 =	vld [tilespmem:s24+$0x0];
	_ =	sdelay $0x2  }
.Ltmp0:
0x30: {  	(pc) =	sbr.rel @p0 .LBB2_2-.Ltmp0, $4  }
0x31: {  	_ = 	snop  }
0x32: {  	v1 =	vadd.f32 v0, v1  }
0x33: {  	s26 =	sshra.s32 s25, $0x2  }
0x34: {  	s25 =	sadd.s32 $0x40, s25;
	v0 =	vld [tilespmem:s26+$0x8000];
	[tilespmem:s24+$0x0] =	vst v1;
	s24 =	smov.u32 s26  }
0x35: {  	v1 =	vld [tilespmem:s24+$0x0];
	_ =	sdelay $0x4  }
0x36: {  	v0 =	vadd.f32 v0, v1;
	_ =	sdelay $0x1  }
0x37: {  	s26 =	simm.s32 $0x0;
	[tilespmem:s24+$0x0] =	vst v0  }
0x38: {  	[hbm4b:s0+s26] =	stream.linear.scatter [tilespmem:s26], [sflag:$0x1], $0x8000, $0x38;
	[tilespmem:$0x10000] =	vst v63  }
0x39: {  	_ =	swait.ge [sflag:s21], $0x8000  }
0x3a: {  	[sflag:s21] =	ssyncset.done $0x0  }
0x3b: {  	s25 =	rddreg [dreg:$0x3];
	[sflag:s21] =	ssyncadd.s32 $0xFFFF8000  }
0x3c: {  	[tilespmem:s26], [sflag:$0x1] =	stream.linear.gather [hbm4b:s25+s26], $0x8000, $0x38;
	[tilespmem:$0x10000] =	vst v63  }
0x3d: {  	_ =	swait.ge [sflag:s21], $0x8000  }
0x3e: {  	[sflag:s21] =	ssyncset.done $0x0  }
0x3f: {  	[sflag:s21] =	ssyncadd.s32 $0xFFFF8000  }
0x40: {  	[tilespmem:s22], [sflag:$0x1] =	stream.linear.gather [hbm4b:s5+s26], $0x8000, $0x38;
	[tilespmem:$0x10000] =	vst v63  }
0x41: {  	_ =	swait.ge [sflag:s21], $0x8000  }
0x42: {  	[sflag:s21] =	ssyncset.done $0x0  }
0x43: {  	s24 =	simm.s32 $0x0;
	[sflag:s21] =	ssyncadd.s32 $0xFFFF8000  }
0x44: {  	s25 =	simm.s32 $0x40;
	v0 =	vld [tilespmem:s24+$0x8000]  }
.LBB2_4:
0x45: {  	p0 =	sne.s32 s25, $0x1FFC0;
	v1 =	vld [tilespmem:s24+$0x0];
	_ =	sdelay $0x2  }
.Ltmp1:
0x46: {  	(pc) =	sbr.rel @p0 .LBB2_4-.Ltmp1, $4  }
0x47: {  	_ = 	snop  }
0x48: {  	v1 =	vadd.f32 v0, v1  }
0x49: {  	s26 =	sshra.s32 s25, $0x2  }
0x4a: {  	s25 =	sadd.s32 $0x40, s25;
	v0 =	vld [tilespmem:s26+$0x8000];
	[tilespmem:s24+$0x0] =	vst v1;
	s24 =	smov.u32 s26  }
0x4b: {  	v1 =	vld [tilespmem:s24+$0x0];
	_ =	sdelay $0x4  }
0x4c: {  	v0 =	vadd.f32 v0, v1;
	_ =	sdelay $0x1  }
0x4d: {  	s25 =	rddreg [dreg:$0x4];
	[tilespmem:s24+$0x0] =	vst v0;
	s24 =	simm.s32 $0x0  }
0x4e: {  	[hbm4b:s25+s24] =	stream.linear.scatter [tilespmem:s24], [sflag:$0x1], $0x8000, $0x38;
	[tilespmem:$0x10000] =	vst v63  }
0x4f: {  	_ =	swait.ge [sflag:s21], $0x8000  }
0x50: {  	[sflag:s21] =	ssyncset.done $0x0  }
0x51: {  	s26 =	rddreg [dreg:$0x5];
	[sflag:s21] =	ssyncadd.s32 $0xFFFF8000  }
0x52: {  	[tilespmem:s24], [sflag:$0x1] =	stream.linear.gather [hbm4b:s26+s24], $0x8000, $0x38;
	[tilespmem:$0x10000] =	vst v63  }
0x53: {  	_ =	swait.ge [sflag:s21], $0x8000  }
0x54: {  	[sflag:s21] =	ssyncset.done $0x0  }
0x55: {  	[sflag:s21] =	ssyncadd.s32 $0xFFFF8000  }
0x56: {  	[tilespmem:s22], [sflag:$0x1] =	stream.linear.gather [hbm4b:s6+s24], $0x8000, $0x38;
	[tilespmem:$0x10000] =	vst v63  }
0x57: {  	_ =	swait.ge [sflag:s21], $0x8000  }
0x58: {  	[sflag:s21] =	ssyncset.done $0x0  }
0x59: {  	s24 =	simm.s32 $0x0;
	[sflag:s21] =	ssyncadd.s32 $0xFFFF8000  }
0x5a: {  	s25 =	simm.s32 $0x40;
	v0 =	vld [tilespmem:s24+$0x8000]  }
.LBB2_6:
0x5b: {  	p0 =	sne.s32 s25, $0x1FFC0;
	v1 =	vld [tilespmem:s24+$0x0];
	_ =	sdelay $0x2  }
.Ltmp2:
0x5c: {  	(pc) =	sbr.rel @p0 .LBB2_6-.Ltmp2, $4  }
0x5d: {  	_ = 	snop  }
0x5e: {  	v1 =	vadd.f32 v0, v1  }
0x5f: {  	s26 =	sshra.s32 s25, $0x2  }
0x60: {  	s25 =	sadd.s32 $0x40, s25;
	v0 =	vld [tilespmem:s26+$0x8000];
	[tilespmem:s24+$0x0] =	vst v1;
	s24 =	smov.u32 s26  }
0x61: {  	v1 =	vld [tilespmem:s24+$0x0];
	_ =	sdelay $0x4  }
0x62: {  	v0 =	vadd.f32 v0, v1;
	_ =	sdelay $0x1  }
0x63: {  	s25 =	rddreg [dreg:$0x6];
	[tilespmem:s24+$0x0] =	vst v0;
	s24 =	simm.s32 $0x0  }
0x64: {  	[hbm4b:s25+s24] =	stream.linear.scatter [tilespmem:s24], [sflag:$0x1], $0x8000, $0x38;
	[tilespmem:$0x10000] =	vst v63  }
0x65: {  	_ =	swait.ge [sflag:s21], $0x8000  }
0x66: {  	[sflag:s21] =	ssyncset.done $0x0  }
0x67: {  	s26 =	rddreg [dreg:$0x7];
	[sflag:s21] =	ssyncadd.s32 $0xFFFF8000  }
0x68: {  	[tilespmem:s24], [sflag:$0x1] =	stream.linear.gather [hbm4b:s26+s24], $0x8000, $0x38;
	[tilespmem:$0x10000] =	vst v63  }
0x69: {  	_ =	swait.ge [sflag:s21], $0x8000  }
0x6a: {  	[sflag:s21] =	ssyncset.done $0x0  }
0x6b: {  	[sflag:s21] =	ssyncadd.s32 $0xFFFF8000  }
0x6c: {  	[tilespmem:s22], [sflag:$0x1] =	stream.linear.gather [hbm4b:s7+s24], $0x8000, $0x38;
	[tilespmem:$0x10000] =	vst v63  }
0x6d: {  	_ =	swait.ge [sflag:s21], $0x8000  }
0x6e: {  	[sflag:s21] =	ssyncset.done $0x0  }
0x6f: {  	s24 =	simm.s32 $0x0;
	[sflag:s21] =	ssyncadd.s32 $0xFFFF8000  }
0x70: {  	s25 =	simm.s32 $0x40;
	v0 =	vld [tilespmem:s24+$0x8000]  }
.LBB2_8:
0x71: {  	p0 =	sne.s32 s25, $0x1FFC0;
	v1 =	vld [tilespmem:s24+$0x0];
	_ =	sdelay $0x2  }
.Ltmp3:
0x72: {  	(pc) =	sbr.rel @p0 .LBB2_8-.Ltmp3, $4  }
0x73: {  	_ = 	snop  }
0x74: {  	v1 =	vadd.f32 v0, v1  }
0x75: {  	s26 =	sshra.s32 s25, $0x2  }
0x76: {  	s25 =	sadd.s32 $0x40, s25;
	v0 =	vld [tilespmem:s26+$0x8000];
	[tilespmem:s24+$0x0] =	vst v1;
	s24 =	smov.u32 s26  }
0x77: {  	v1 =	vld [tilespmem:s24+$0x0];
	_ =	sdelay $0x4  }
0x78: {  	v0 =	vadd.f32 v0, v1;
	_ =	sdelay $0x1  }
0x79: {  	s25 =	rddreg [dreg:$0x8];
	[tilespmem:s24+$0x0] =	vst v0;
	s24 =	simm.s32 $0x0  }
0x7a: {  	[hbm4b:s25+s24] =	stream.linear.scatter [tilespmem:s24], [sflag:$0x1], $0x8000, $0x38;
	[tilespmem:$0x10000] =	vst v63  }
0x7b: {  	_ =	swait.ge [sflag:s21], $0x8000  }
0x7c: {  	[sflag:s21] =	ssyncset.done $0x0  }
0x7d: {  	s26 =	rddreg [dreg:$0x9];
	[sflag:s21] =	ssyncadd.s32 $0xFFFF8000  }
0x7e: {  	[tilespmem:s24], [sflag:$0x1] =	stream.linear.gather [hbm4b:s26+s24], $0x8000, $0x38;
	[tilespmem:$0x10000] =	vst v63  }
0x7f: {  	_ =	swait.ge [sflag:s21], $0x8000  }
0x80: {  	[sflag:s21] =	ssyncset.done $0x0  }
0x81: {  	[sflag:s21] =	ssyncadd.s32 $0xFFFF8000  }
0x82: {  	[tilespmem:s22], [sflag:$0x1] =	stream.linear.gather [hbm4b:s8+s24], $0x8000, $0x38;
	[tilespmem:$0x10000] =	vst v63  }
0x83: {  	_ =	swait.ge [sflag:s21], $0x8000  }
0x84: {  	[sflag:s21] =	ssyncset.done $0x0  }
0x85: {  	s24 =	simm.s32 $0x0;
	[sflag:s21] =	ssyncadd.s32 $0xFFFF8000  }
0x86: {  	s25 =	simm.s32 $0x40;
	v0 =	vld [tilespmem:s24+$0x8000]  }
.LBB2_10:
0x87: {  	p0 =	sne.s32 s25, $0x1FFC0;
	v1 =	vld [tilespmem:s24+$0x0];
	_ =	sdelay $0x2  }
.Ltmp4:
0x88: {  	(pc) =	sbr.rel @p0 .LBB2_10-.Ltmp4, $4  }
0x89: {  	_ = 	snop  }
0x8a: {  	v1 =	vadd.f32 v0, v1  }
0x8b: {  	s26 =	sshra.s32 s25, $0x2  }
0x8c: {  	s25 =	sadd.s32 $0x40, s25;
	v0 =	vld [tilespmem:s26+$0x8000];
	[tilespmem:s24+$0x0] =	vst v1;
	s24 =	smov.u32 s26  }
0x8d: {  	v1 =	vld [tilespmem:s24+$0x0];
	_ =	sdelay $0x4  }
0x8e: {  	v0 =	vadd.f32 v0, v1;
	_ =	sdelay $0x1  }
0x8f: {  	s25 =	rddreg [dreg:$0xa];
	[tilespmem:s24+$0x0] =	vst v0;
	s24 =	simm.s32 $0x0  }
0x90: {  	[hbm4b:s25+s24] =	stream.linear.scatter [tilespmem:s24], [sflag:$0x1], $0x8000, $0x38;
	[tilespmem:$0x10000] =	vst v63  }
0x91: {  	_ =	swait.ge [sflag:s21], $0x8000  }
0x92: {  	[sflag:s21] =	ssyncset.done $0x0  }
0x93: {  	s26 =	rddreg [dreg:$0xb];
	[sflag:s21] =	ssyncadd.s32 $0xFFFF8000  }
0x94: {  	[tilespmem:s24], [sflag:$0x1] =	stream.linear.gather [hbm4b:s26+s24], $0x8000, $0x38;
	[tilespmem:$0x10000] =	vst v63  }
0x95: {  	_ =	swait.ge [sflag:s21], $0x8000  }
0x96: {  	[sflag:s21] =	ssyncset.done $0x0  }
0x97: {  	[sflag:s21] =	ssyncadd.s32 $0xFFFF8000  }
0x98: {  	[tilespmem:s22], [sflag:$0x1] =	stream.linear.gather [hbm4b:s9+s24], $0x8000, $0x38;
	[tilespmem:$0x10000] =	vst v63  }
0x99: {  	_ =	swait.ge [sflag:s21], $0x8000  }
0x9a: {  	[sflag:s21] =	ssyncset.done $0x0  }
0x9b: {  	s24 =	simm.s32 $0x0;
	[sflag:s21] =	ssyncadd.s32 $0xFFFF8000  }
0x9c: {  	s25 =	simm.s32 $0x40;
	v0 =	vld [tilespmem:s24+$0x8000]  }
.LBB2_12:
0x9d: {  	p0 =	sne.s32 s25, $0x1FFC0;
	v1 =	vld [tilespmem:s24+$0x0];
	_ =	sdelay $0x2  }
.Ltmp5:
0x9e: {  	(pc) =	sbr.rel @p0 .LBB2_12-.Ltmp5, $4  }
0x9f: {  	_ = 	snop  }
0xa0: {  	v1 =	vadd.f32 v0, v1  }
0xa1: {  	s26 =	sshra.s32 s25, $0x2  }
0xa2: {  	s25 =	sadd.s32 $0x40, s25;
	v0 =	vld [tilespmem:s26+$0x8000];
	[tilespmem:s24+$0x0] =	vst v1;
	s24 =	smov.u32 s26  }
0xa3: {  	v1 =	vld [tilespmem:s24+$0x0];
	_ =	sdelay $0x4  }
0xa4: {  	v0 =	vadd.f32 v0, v1;
	_ =	sdelay $0x1  }
0xa5: {  	s25 =	rddreg [dreg:$0xc];
	[tilespmem:s24+$0x0] =	vst v0;
	s24 =	simm.s32 $0x0  }
0xa6: {  	[hbm4b:s25+s24] =	stream.linear.scatter [tilespmem:s24], [sflag:$0x1], $0x8000, $0x38;
	[tilespmem:$0x10000] =	vst v63  }
0xa7: {  	_ =	swait.ge [sflag:s21], $0x8000  }
0xa8: {  	[sflag:s21] =	ssyncset.done $0x0  }
0xa9: {  	s26 =	rddreg [dreg:$0xd];
	[sflag:s21] =	ssyncadd.s32 $0xFFFF8000  }
0xaa: {  	[tilespmem:s24], [sflag:$0x1] =	stream.linear.gather [hbm4b:s26+s24], $0x8000, $0x38;
	[tilespmem:$0x10000] =	vst v63  }
0xab: {  	_ =	swait.ge [sflag:s21], $0x8000  }
0xac: {  	[sflag:s21] =	ssyncset.done $0x0  }
0xad: {  	[sflag:s21] =	ssyncadd.s32 $0xFFFF8000  }
0xae: {  	[tilespmem:s22], [sflag:$0x1] =	stream.linear.gather [hbm4b:s10+s24], $0x8000, $0x38;
	[tilespmem:$0x10000] =	vst v63  }
0xaf: {  	_ =	swait.ge [sflag:s21], $0x8000  }
0xb0: {  	[sflag:s21] =	ssyncset.done $0x0  }
0xb1: {  	s24 =	simm.s32 $0x0;
	[sflag:s21] =	ssyncadd.s32 $0xFFFF8000  }
0xb2: {  	s25 =	simm.s32 $0x40;
	v0 =	vld [tilespmem:s24+$0x8000]  }
.LBB2_14:
0xb3: {  	p0 =	sne.s32 s25, $0x1FFC0;
	v1 =	vld [tilespmem:s24+$0x0];
	_ =	sdelay $0x2  }
.Ltmp6:
0xb4: {  	(pc) =	sbr.rel @p0 .LBB2_14-.Ltmp6, $4  }
0xb5: {  	_ = 	snop  }
0xb6: {  	v1 =	vadd.f32 v0, v1  }
0xb7: {  	s26 =	sshra.s32 s25, $0x2  }
0xb8: {  	s25 =	sadd.s32 $0x40, s25;
	v0 =	vld [tilespmem:s26+$0x8000];
	[tilespmem:s24+$0x0] =	vst v1;
	s24 =	smov.u32 s26  }
0xb9: {  	v1 =	vld [tilespmem:s24+$0x0];
	_ =	sdelay $0x4  }
0xba: {  	v0 =	vadd.f32 v0, v1;
	_ =	sdelay $0x1  }
0xbb: {  	s25 =	rddreg [dreg:$0xe];
	[tilespmem:s24+$0x0] =	vst v0;
	s24 =	simm.s32 $0x0  }
0xbc: {  	[hbm4b:s25+s24] =	stream.linear.scatter [tilespmem:s24], [sflag:$0x1], $0x8000, $0x38;
	[tilespmem:$0x10000] =	vst v63  }
0xbd: {  	_ =	swait.ge [sflag:s21], $0x8000  }
0xbe: {  	[sflag:s21] =	ssyncset.done $0x0  }
0xbf: {  	s26 =	rddreg [dreg:$0xf];
	[sflag:s21] =	ssyncadd.s32 $0xFFFF8000  }
0xc0: {  	[tilespmem:s24], [sflag:$0x1] =	stream.linear.gather [hbm4b:s26+s24], $0x8000, $0x38;
	[tilespmem:$0x10000] =	vst v63  }
0xc1: {  	_ =	swait.ge [sflag:s21], $0x8000  }
0xc2: {  	[sflag:s21] =	ssyncset.done $0x0  }
0xc3: {  	[sflag:s21] =	ssyncadd.s32 $0xFFFF8000  }
0xc4: {  	[tilespmem:s22], [sflag:$0x1] =	stream.linear.gather [hbm4b:s11+s24], $0x8000, $0x38;
	[tilespmem:$0x10000] =	vst v63  }
0xc5: {  	_ =	swait.ge [sflag:s21], $0x8000  }
0xc6: {  	[sflag:s21] =	ssyncset.done $0x0  }
0xc7: {  	s24 =	simm.s32 $0x0;
	[sflag:s21] =	ssyncadd.s32 $0xFFFF8000  }
0xc8: {  	s25 =	simm.s32 $0x40;
	v0 =	vld [tilespmem:s24+$0x8000]  }
.LBB2_16:
0xc9: {  	p0 =	sne.s32 s25, $0x1FFC0;
	v1 =	vld [tilespmem:s24+$0x0];
	_ =	sdelay $0x2  }
.Ltmp7:
0xca: {  	(pc) =	sbr.rel @p0 .LBB2_16-.Ltmp7, $4  }
0xcb: {  	_ = 	snop  }
0xcc: {  	v1 =	vadd.f32 v0, v1  }
0xcd: {  	s26 =	sshra.s32 s25, $0x2  }
0xce: {  	s25 =	sadd.s32 $0x40, s25;
	v0 =	vld [tilespmem:s26+$0x8000];
	[tilespmem:s24+$0x0] =	vst v1;
	s24 =	smov.u32 s26  }
0xcf: {  	v1 =	vld [tilespmem:s24+$0x0];
	_ =	sdelay $0x4  }
0xd0: {  	v0 =	vadd.f32 v0, v1;
	_ =	sdelay $0x1  }
0xd1: {  	s25 =	rddreg [dreg:$0x10];
	[tilespmem:s24+$0x0] =	vst v0;
	s24 =	simm.s32 $0x0  }
0xd2: {  	[hbm4b:s25+s24] =	stream.linear.scatter [tilespmem:s24], [sflag:$0x1], $0x8000, $0x38;
	[tilespmem:$0x10000] =	vst v63  }
0xd3: {  	_ =	swait.ge [sflag:s21], $0x8000  }
0xd4: {  	[sflag:s21] =	ssyncset.done $0x0  }
0xd5: {  	s26 =	rddreg [dreg:$0x11];
	[sflag:s21] =	ssyncadd.s32 $0xFFFF8000  }
0xd6: {  	[tilespmem:s24], [sflag:$0x1] =	stream.linear.gather [hbm4b:s26+s24], $0x8000, $0x38;
	[tilespmem:$0x10000] =	vst v63  }
0xd7: {  	_ =	swait.ge [sflag:s21], $0x8000  }
0xd8: {  	[sflag:s21] =	ssyncset.done $0x0  }
0xd9: {  	[sflag:s21] =	ssyncadd.s32 $0xFFFF8000  }
0xda: {  	[tilespmem:s22], [sflag:$0x1] =	stream.linear.gather [hbm4b:s12+s24], $0x8000, $0x38;
	[tilespmem:$0x10000] =	vst v63  }
0xdb: {  	_ =	swait.ge [sflag:s21], $0x8000  }
0xdc: {  	[sflag:s21] =	ssyncset.done $0x0  }
0xdd: {  	s24 =	simm.s32 $0x0;
	[sflag:s21] =	ssyncadd.s32 $0xFFFF8000  }
0xde: {  	s25 =	simm.s32 $0x40;
	v0 =	vld [tilespmem:s24+$0x8000]  }
.LBB2_18:
0xdf: {  	p0 =	sne.s32 s25, $0x1FFC0;
	v1 =	vld [tilespmem:s24+$0x0];
	_ =	sdelay $0x2  }
.Ltmp8:
0xe0: {  	(pc) =	sbr.rel @p0 .LBB2_18-.Ltmp8, $4  }
0xe1: {  	_ = 	snop  }
0xe2: {  	v1 =	vadd.f32 v0, v1  }
0xe3: {  	s26 =	sshra.s32 s25, $0x2  }
0xe4: {  	s25 =	sadd.s32 $0x40, s25;
	v0 =	vld [tilespmem:s26+$0x8000];
	[tilespmem:s24+$0x0] =	vst v1;
	s24 =	smov.u32 s26  }
0xe5: {  	v1 =	vld [tilespmem:s24+$0x0];
	_ =	sdelay $0x4  }
0xe6: {  	v0 =	vadd.f32 v0, v1;
	_ =	sdelay $0x1  }
0xe7: {  	s25 =	rddreg [dreg:$0x12];
	[tilespmem:s24+$0x0] =	vst v0;
	s24 =	simm.s32 $0x0  }
0xe8: {  	[hbm4b:s25+s24] =	stream.linear.scatter [tilespmem:s24], [sflag:$0x1], $0x8000, $0x38;
	[tilespmem:$0x10000] =	vst v63  }
0xe9: {  	_ =	swait.ge [sflag:s21], $0x8000  }
0xea: {  	[sflag:s21] =	ssyncset.done $0x0  }
0xeb: {  	s26 =	rddreg [dreg:$0x13];
	[sflag:s21] =	ssyncadd.s32 $0xFFFF8000  }
0xec: {  	[tilespmem:s24], [sflag:$0x1] =	stream.linear.gather [hbm4b:s26+s24], $0x8000, $0x38;
	[tilespmem:$0x10000] =	vst v63  }
0xed: {  	_ =	swait.ge [sflag:s21], $0x8000  }
0xee: {  	[sflag:s21] =	ssyncset.done $0x0  }
0xef: {  	[sflag:s21] =	ssyncadd.s32 $0xFFFF8000  }
0xf0: {  	[tilespmem:s22], [sflag:$0x1] =	stream.linear.gather [hbm4b:s13+s24], $0x8000, $0x38;
	[tilespmem:$0x10000] =	vst v63  }
0xf1: {  	_ =	swait.ge [sflag:s21], $0x8000  }
0xf2: {  	[sflag:s21] =	ssyncset.done $0x0  }
0xf3: {  	s24 =	simm.s32 $0x0;
	[sflag:s21] =	ssyncadd.s32 $0xFFFF8000  }
0xf4: {  	s25 =	simm.s32 $0x40;
	v0 =	vld [tilespmem:s24+$0x8000]  }
.LBB2_20:
0xf5: {  	p0 =	sne.s32 s25, $0x1FFC0;
	v1 =	vld [tilespmem:s24+$0x0];
	_ =	sdelay $0x2  }
.Ltmp9:
0xf6: {  	(pc) =	sbr.rel @p0 .LBB2_20-.Ltmp9, $4  }
0xf7: {  	_ = 	snop  }
0xf8: {  	v1 =	vadd.f32 v0, v1  }
0xf9: {  	s26 =	sshra.s32 s25, $0x2  }
0xfa: {  	s25 =	sadd.s32 $0x40, s25;
	v0 =	vld [tilespmem:s26+$0x8000];
	[tilespmem:s24+$0x0] =	vst v1;
	s24 =	smov.u32 s26  }
0xfb: {  	v1 =	vld [tilespmem:s24+$0x0];
	_ =	sdelay $0x4  }
0xfc: {  	v0 =	vadd.f32 v0, v1;
	_ =	sdelay $0x1  }
0xfd: {  	s25 =	rddreg [dreg:$0x14];
	[tilespmem:s24+$0x0] =	vst v0;
	s24 =	simm.s32 $0x0  }
0xfe: {  	[hbm4b:s25+s24] =	stream.linear.scatter [tilespmem:s24], [sflag:$0x1], $0x8000, $0x38;
	[tilespmem:$0x10000] =	vst v63  }
0xff: {  	_ =	swait.ge [sflag:s21], $0x8000  }
0x100: {  	[sflag:s21] =	ssyncset.done $0x0  }
0x101: {  	s26 =	rddreg [dreg:$0x15];
	[sflag:s21] =	ssyncadd.s32 $0xFFFF8000  }
0x102: {  	[tilespmem:s24], [sflag:$0x1] =	stream.linear.gather [hbm4b:s26+s24], $0x8000, $0x38;
	[tilespmem:$0x10000] =	vst v63  }
0x103: {  	_ =	swait.ge [sflag:s21], $0x8000  }
0x104: {  	[sflag:s21] =	ssyncset.done $0x0  }
0x105: {  	[sflag:s21] =	ssyncadd.s32 $0xFFFF8000  }
0x106: {  	[tilespmem:s22], [sflag:$0x1] =	stream.linear.gather [hbm4b:s14+s24], $0x8000, $0x38;
	[tilespmem:$0x10000] =	vst v63  }
0x107: {  	_ =	swait.ge [sflag:s21], $0x8000  }
0x108: {  	[sflag:s21] =	ssyncset.done $0x0  }
0x109: {  	s24 =	simm.s32 $0x0;
	[sflag:s21] =	ssyncadd.s32 $0xFFFF8000  }
0x10a: {  	s25 =	simm.s32 $0x40;
	v0 =	vld [tilespmem:s24+$0x8000]  }
.LBB2_22:
0x10b: {  	p0 =	sne.s32 s25, $0x1FFC0;
	v1 =	vld [tilespmem:s24+$0x0];
	_ =	sdelay $0x2  }
.Ltmp10:
0x10c: {  	(pc) =	sbr.rel @p0 .LBB2_22-.Ltmp10, $4  }
0x10d: {  	_ = 	snop  }
0x10e: {  	v1 =	vadd.f32 v0, v1  }
0x10f: {  	s26 =	sshra.s32 s25, $0x2  }
0x110: {  	s25 =	sadd.s32 $0x40, s25;
	v0 =	vld [tilespmem:s26+$0x8000];
	[tilespmem:s24+$0x0] =	vst v1;
	s24 =	smov.u32 s26  }
0x111: {  	v1 =	vld [tilespmem:s24+$0x0];
	_ =	sdelay $0x4  }
0x112: {  	v0 =	vadd.f32 v0, v1;
	_ =	sdelay $0x1  }
0x113: {  	s25 =	rddreg [dreg:$0x16];
	[tilespmem:s24+$0x0] =	vst v0;
	s24 =	simm.s32 $0x0  }
0x114: {  	[hbm4b:s25+s24] =	stream.linear.scatter [tilespmem:s24], [sflag:$0x1], $0x8000, $0x38;
	[tilespmem:$0x10000] =	vst v63  }
0x115: {  	_ =	swait.ge [sflag:s21], $0x8000  }
0x116: {  	[sflag:s21] =	ssyncset.done $0x0  }
0x117: {  	s26 =	rddreg [dreg:$0x17];
	[sflag:s21] =	ssyncadd.s32 $0xFFFF8000  }
0x118: {  	[tilespmem:s24], [sflag:$0x1] =	stream.linear.gather [hbm4b:s26+s24], $0x8000, $0x38;
	[tilespmem:$0x10000] =	vst v63  }
0x119: {  	_ =	swait.ge [sflag:s21], $0x8000  }
0x11a: {  	[sflag:s21] =	ssyncset.done $0x0  }
0x11b: {  	[sflag:s21] =	ssyncadd.s32 $0xFFFF8000  }
0x11c: {  	[tilespmem:s22], [sflag:$0x1] =	stream.linear.gather [hbm4b:s15+s24], $0x8000, $0x38;
	[tilespmem:$0x10000] =	vst v63  }
0x11d: {  	_ =	swait.ge [sflag:s21], $0x8000  }
0x11e: {  	[sflag:s21] =	ssyncset.done $0x0  }
0x11f: {  	s24 =	simm.s32 $0x0;
	[sflag:s21] =	ssyncadd.s32 $0xFFFF8000  }
0x120: {  	s25 =	simm.s32 $0x40;
	v0 =	vld [tilespmem:s24+$0x8000]  }
.LBB2_24:
0x121: {  	p0 =	sne.s32 s25, $0x1FFC0;
	v1 =	vld [tilespmem:s24+$0x0];
	_ =	sdelay $0x2  }
.Ltmp11:
0x122: {  	(pc) =	sbr.rel @p0 .LBB2_24-.Ltmp11, $4  }
0x123: {  	_ = 	snop  }
0x124: {  	v1 =	vadd.f32 v0, v1  }
0x125: {  	s26 =	sshra.s32 s25, $0x2  }
0x126: {  	s25 =	sadd.s32 $0x40, s25;
	v0 =	vld [tilespmem:s26+$0x8000];
	[tilespmem:s24+$0x0] =	vst v1;
	s24 =	smov.u32 s26  }
0x127: {  	v1 =	vld [tilespmem:s24+$0x0];
	_ =	sdelay $0x4  }
0x128: {  	v0 =	vadd.f32 v0, v1;
	_ =	sdelay $0x1  }
0x129: {  	s25 =	rddreg [dreg:$0x18];
	[tilespmem:s24+$0x0] =	vst v0;
	s24 =	simm.s32 $0x0  }
0x12a: {  	[hbm4b:s25+s24] =	stream.linear.scatter [tilespmem:s24], [sflag:$0x1], $0x8000, $0x38;
	[tilespmem:$0x10000] =	vst v63  }
0x12b: {  	_ =	swait.ge [sflag:s21], $0x8000  }
0x12c: {  	[sflag:s21] =	ssyncset.done $0x0  }
0x12d: {  	s26 =	rddreg [dreg:$0x19];
	[sflag:s21] =	ssyncadd.s32 $0xFFFF8000  }
0x12e: {  	[tilespmem:s24], [sflag:$0x1] =	stream.linear.gather [hbm4b:s26+s24], $0x8000, $0x38;
	[tilespmem:$0x10000] =	vst v63  }
0x12f: {  	_ =	swait.ge [sflag:s21], $0x8000  }
0x130: {  	[sflag:s21] =	ssyncset.done $0x0  }
0x131: {  	[sflag:s21] =	ssyncadd.s32 $0xFFFF8000  }
0x132: {  	[tilespmem:s22], [sflag:$0x1] =	stream.linear.gather [hbm4b:s16+s24], $0x8000, $0x38;
	[tilespmem:$0x10000] =	vst v63  }
0x133: {  	_ =	swait.ge [sflag:s21], $0x8000  }
0x134: {  	[sflag:s21] =	ssyncset.done $0x0  }
0x135: {  	s24 =	simm.s32 $0x0;
	[sflag:s21] =	ssyncadd.s32 $0xFFFF8000  }
0x136: {  	s25 =	simm.s32 $0x40;
	v0 =	vld [tilespmem:s24+$0x8000]  }
.LBB2_26:
0x137: {  	p0 =	sne.s32 s25, $0x1FFC0;
	v1 =	vld [tilespmem:s24+$0x0];
	_ =	sdelay $0x2  }
.Ltmp12:
0x138: {  	(pc) =	sbr.rel @p0 .LBB2_26-.Ltmp12, $4  }
0x139: {  	_ = 	snop  }
0x13a: {  	v1 =	vadd.f32 v0, v1  }
0x13b: {  	s26 =	sshra.s32 s25, $0x2  }
0x13c: {  	s25 =	sadd.s32 $0x40, s25;
	v0 =	vld [tilespmem:s26+$0x8000];
	[tilespmem:s24+$0x0] =	vst v1;
	s24 =	smov.u32 s26  }
0x13d: {  	v1 =	vld [tilespmem:s24+$0x0];
	_ =	sdelay $0x4  }
0x13e: {  	v0 =	vadd.f32 v0, v1;
	_ =	sdelay $0x1  }
0x13f: {  	s25 =	rddreg [dreg:$0x1a];
	[tilespmem:s24+$0x0] =	vst v0;
	s24 =	simm.s32 $0x0  }
0x140: {  	[hbm4b:s25+s24] =	stream.linear.scatter [tilespmem:s24], [sflag:$0x1], $0x8000, $0x38;
	[tilespmem:$0x10000] =	vst v63  }
0x141: {  	_ =	swait.ge [sflag:s21], $0x8000  }
0x142: {  	[sflag:s21] =	ssyncset.done $0x0  }
0x143: {  	s26 =	rddreg [dreg:$0x1b];
	[sflag:s21] =	ssyncadd.s32 $0xFFFF8000  }
0x144: {  	[tilespmem:s24], [sflag:$0x1] =	stream.linear.gather [hbm4b:s26+s24], $0x8000, $0x38;
	[tilespmem:$0x10000] =	vst v63  }
0x145: {  	_ =	swait.ge [sflag:s21], $0x8000  }
0x146: {  	[sflag:s21] =	ssyncset.done $0x0  }
0x147: {  	[sflag:s21] =	ssyncadd.s32 $0xFFFF8000  }
0x148: {  	[tilespmem:s22], [sflag:$0x1] =	stream.linear.gather [hbm4b:s17+s24], $0x8000, $0x38;
	[tilespmem:$0x10000] =	vst v63  }
0x149: {  	_ =	swait.ge [sflag:s21], $0x8000  }
0x14a: {  	[sflag:s21] =	ssyncset.done $0x0  }
0x14b: {  	s24 =	simm.s32 $0x0;
	[sflag:s21] =	ssyncadd.s32 $0xFFFF8000  }
0x14c: {  	s25 =	simm.s32 $0x40;
	v0 =	vld [tilespmem:s24+$0x8000]  }
.LBB2_28:
0x14d: {  	p0 =	sne.s32 s25, $0x1FFC0;
	v1 =	vld [tilespmem:s24+$0x0];
	_ =	sdelay $0x2  }
.Ltmp13:
0x14e: {  	(pc) =	sbr.rel @p0 .LBB2_28-.Ltmp13, $4  }
0x14f: {  	_ = 	snop  }
0x150: {  	v1 =	vadd.f32 v0, v1  }
0x151: {  	s26 =	sshra.s32 s25, $0x2  }
0x152: {  	s25 =	sadd.s32 $0x40, s25;
	v0 =	vld [tilespmem:s26+$0x8000];
	[tilespmem:s24+$0x0] =	vst v1;
	s24 =	smov.u32 s26  }
0x153: {  	v1 =	vld [tilespmem:s24+$0x0];
	_ =	sdelay $0x4  }
0x154: {  	v0 =	vadd.f32 v0, v1;
	_ =	sdelay $0x1  }
0x155: {  	s26 =	simm.s32 $0x0;
	[tilespmem:s24+$0x0] =	vst v0  }
0x156: {  	[hbm4b:s28+s26] =	stream.linear.scatter [tilespmem:s26], [sflag:$0x1], $0x8000, $0x38;
	[tilespmem:$0x10000] =	vst v63  }
0x157: {  	_ =	swait.ge [sflag:s21], $0x8000  }
0x158: {  	[sflag:s21] =	ssyncset.done $0x0  }
0x159: {  	[sflag:s21] =	ssyncadd.s32 $0xFFFF8000  }
0x15a: {  	[tilespmem:s26], [sflag:$0x1] =	stream.linear.gather [hbm4b:s29+s26], $0x8000, $0x38;
	[tilespmem:$0x10000] =	vst v63  }
0x15b: {  	_ =	swait.ge [sflag:s21], $0x8000  }
0x15c: {  	[sflag:s21] =	ssyncset.done $0x0  }
0x15d: {  	[sflag:s21] =	ssyncadd.s32 $0xFFFF8000  }
0x15e: {  	[tilespmem:s22], [sflag:$0x1] =	stream.linear.gather [hbm4b:s18+s26], $0x8000, $0x38;
	[tilespmem:$0x10000] =	vst v63  }
0x15f: {  	_ =	swait.ge [sflag:s21], $0x8000  }
0x160: {  	[sflag:s21] =	ssyncset.done $0x0  }
0x161: {  	s24 =	simm.s32 $0x0;
	[sflag:s21] =	ssyncadd.s32 $0xFFFF8000  }
0x162: {  	s25 =	simm.s32 $0x40;
	v0 =	vld [tilespmem:s24+$0x8000]  }
.LBB2_30:
0x163: {  	p0 =	sne.s32 s25, $0x1FFC0;
	v1 =	vld [tilespmem:s24+$0x0];
	_ =	sdelay $0x2  }
.Ltmp14:
0x164: {  	(pc) =	sbr.rel @p0 .LBB2_30-.Ltmp14, $4  }
0x165: {  	_ = 	snop  }
0x166: {  	v1 =	vadd.f32 v0, v1  }
0x167: {  	s26 =	sshra.s32 s25, $0x2  }
0x168: {  	s25 =	sadd.s32 $0x40, s25;
	v0 =	vld [tilespmem:s26+$0x8000];
	[tilespmem:s24+$0x0] =	vst v1;
	s24 =	smov.u32 s26  }
0x169: {  	v1 =	vld [tilespmem:s24+$0x0];
	_ =	sdelay $0x4  }
0x16a: {  	v0 =	vadd.f32 v0, v1;
	_ =	sdelay $0x1  }
0x16b: {  	s26 =	simm.s32 $0x0;
	[tilespmem:s24+$0x0] =	vst v0  }
0x16c: {  	[hbm4b:s31+s26] =	stream.linear.scatter [tilespmem:s26], [sflag:$0x1], $0x8000, $0x38;
	[tilespmem:$0x10000] =	vst v63  }
0x16d: {  	_ =	swait.ge [sflag:s21], $0x8000  }
0x16e: {  	[sflag:s21] =	ssyncset.done $0x0  }
0x16f: {  	[sflag:s21] =	ssyncadd.s32 $0xFFFF8000  }
0x170: {  	[tilespmem:s26], [sflag:$0x1] =	stream.linear.gather [hbm4b:s2+s26], $0x8000, $0x38;
	[tilespmem:$0x10000] =	vst v63  }
0x171: {  	_ =	swait.ge [sflag:s21], $0x8000  }
0x172: {  	[sflag:s21] =	ssyncset.done $0x0  }
0x173: {  	[sflag:s21] =	ssyncadd.s32 $0xFFFF8000  }
0x174: {  	[tilespmem:s22], [sflag:$0x1] =	stream.linear.gather [hbm4b:s19+s26], $0x8000, $0x38;
	[tilespmem:$0x10000] =	vst v63  }
0x175: {  	_ =	swait.ge [sflag:s21], $0x8000  }
0x176: {  	[sflag:s21] =	ssyncset.done $0x0  }
0x177: {  	s24 =	simm.s32 $0x0;
	[sflag:s21] =	ssyncadd.s32 $0xFFFF8000  }
0x178: {  	s25 =	simm.s32 $0x40;
	v0 =	vld [tilespmem:s24+$0x8000]  }
.LBB2_32:
0x179: {  	p0 =	sne.s32 s25, $0x1FFC0;
	v1 =	vld [tilespmem:s24+$0x0];
	_ =	sdelay $0x2  }
.Ltmp15:
0x17a: {  	(pc) =	sbr.rel @p0 .LBB2_32-.Ltmp15, $4  }
0x17b: {  	_ = 	snop  }
0x17c: {  	v1 =	vadd.f32 v0, v1  }
0x17d: {  	s26 =	sshra.s32 s25, $0x2  }
0x17e: {  	s25 =	sadd.s32 $0x40, s25;
	v0 =	vld [tilespmem:s26+$0x8000];
	[tilespmem:s24+$0x0] =	vst v1;
	s24 =	smov.u32 s26  }
0x17f: {  	v1 =	vld [tilespmem:s24+$0x0];
	_ =	sdelay $0x4  }
0x180: {  	s23 =	sadd.s32 $0x1, s23;
	v0 =	vadd.f32 v0, v1  }
0x181: {  	p0 =	sne.s32 s23, s20  }
.Ltmp16:
0x182: {  	[tilespmem:s24+$0x0] =	vst v0;
	(pc) =	sbr.rel @p0 .LBB2_1-.Ltmp16, $4  }
0x183: {  	[hbm4b:s3+s1] =	stream.linear.scatter [tilespmem:s1], [sflag:$0x1], $0x8000, $0x38;
	[tilespmem:$0x10000] =	vst v63  }
0x184: {  	_ =	swait.ge [sflag:s21], $0x8000  }
0x185: {  	[sflag:s21] =	ssyncset.done $0x0  }
0x186: {  	[sflag:s21] =	ssyncadd.s32 $0xFFFF8000  }
0x187: {  	_ =	sfence.sel $0x180000  }
0x188: {  	[bflag:$0x0] =	sbarrier.arrive $0xFFFF  }
0x189: {  	_ =	strace $0x9000004A  }
0x18a: {  	s0 =	stileid.u32;
	[bflag:$0x2] =	sbarrier.arrive $0xFFFF  }
0x18b: {  	p0 =	sne.s32 s0, $0x0;
	s0 =	rddreg [dreg:$0x2]  }
0x18c: {  	s0 =	sadd.s32 @!p0 $0x100000, s0  }
0x18d: {  	[sflag:s0] =	ssyncadd.tile.s32 @!p0 $0x1;
	_ =	shalt  }
.Lfunc_end2:
_tile_overlayer_lowered:
.L_overlay_start_2:
0x18e: {  	(tag) =	ssettag $0x2  }
0x18f: {  	s0 =	rddreg [dreg:$0x0];
	s2 =	stileid.u32  }
0x190: {  	s1 =	rddreg [dreg:$0x1];
	p0 =	sne.s32 s2, $0x0  }
0x191: {  	s3 =	rddreg [dreg:$0x2];
	[bflag:$0x3] =	sbarrier.arrive $0xFFFF;
	s2 =	simm.s32 @!p0 $0x1C01  }
0x192: {  	[timem:s3], [sflag:s2] =	dma.local @!p0 [hbm:s0], s1  }
0x193: {  	s0 =	simm.s32 @!p0 $0x1  }
0x194: {  	_ =	swait.ge @!p0 [sflag:s0], s1  }
0x195: {  	s1 =	ssub.s32 @!p0 $0x0, s1;
	[sflag:s0] =	ssyncset.done @!p0 $0x0  }
0x196: {  	[sflag:s0] =	ssyncadd.s32 @!p0 s1  }
0x197: {  	[bflag:$0x3] =	sbarrier.arrive $0xFFFF  }
0x198: {  	_ =	shalt  }

// kernel: sparse-core-data-format-call.cloned.1.call-start
scs
called_computation_lowered:
.L_overlay_start_0:
0x0: {  	s2 =	sld [smem:$0x3FD9]  }
0x1: {  	s3 =	sld [smem:$0x3FFE];
	_ =	sdelay $0x1  }
0x2: {  	s1 =	srdreg.scid  }
0x3: {  	s0 =	sand.u32 $0x1, s1  }
0x4: {  	s19 =	sshll.u32 s0, $0xA;
	s2 =	sadd.s32 s3, s2  }
0x5: {  	s2 =	sadd.s32 s2, s19  }
0x6: {  	[smem:$0x3FC7] =	sst s2  }
0x7: {  	_ = 	snop  }
0x8: {  	s2 =	sld [smem:$0x3FC9]  }
0x9: {  	s20 =	sld [smem:$0x3FD0];
	(tm) =	ssettm $0x1  }
0xa: {  	s4 =	sld [smem:$0x3FFB];
	_ =	sdelay $0x3  }
0xb: {  	_ =	strace s4  }
0xc: {  	s4 =	sld [smem:$0x3FFC];
	_ =	sdelay $0x3  }
0xd: {  	_ =	strace s4  }
0xe: {  	s4 =	sld [smem:$0x3FFD];
	_ =	sdelay $0x3  }
0xf: {  	_ =	strace s4  }
0x10: {  	_ =	strace $0x8FFFFFFF  }
0x11: {  	s21 =	sld [smem:$0x3FDB];
	_ =	sdelay $0x1  }
0x12: {  	s5 =	simm.s32 $_scs_section_size  }
0x13: {  	s6 =	simm.s32 $_size__tile_overlayer_lowered;
	s7 =	simm.s32 $_tile_overlayer_lowered  }
0x14: {  	s24 =	simm.s32 $0x1BFF;
	s23 =	sshll.u32 s7, $0x1;
	s4 =	sadd.s32 s5, s21  }
0x15: {  	s8 =	simm.s32 $0x0;
	s22 =	sshll.u32 s6, $0x1;
	s6 =	sadd.s32 s23, s4  }
0x16: {  	[timem:s8], [sflag:s24] =	dma.local [hbm:s6], s22  }
0x17: {  	_ =	swait.ge [sflag:s24], s22  }
0x18: {  	s5 =	ssub.s32 $0x0, s22;
	[sflag:s24] =	ssyncset.done $0x0  }
0x19: {  	[sflag:s24] =	ssyncadd.s32 s5;
	_ =	sdelay $0x1  }
0x1a: {  	s25 =	simm.s32 $0x1B8B  }
0x1b: {  	_ =	swait.ge [sflag:s25], $0x1  }
0x1c: {  	[sflag:s25] =	ssyncset.done $0x0  }
0x1d: {  	s26 =	simm.s32 $0x1B8E;
	[sflag:s25] =	ssyncadd.s32 $0xFFFFFFFF  }
0x1e: {  	s27 =	simm.s32 $execute0_lowered;
	[smem:$0x3FD2] =	sst s26  }
0x1f: {  	s5 =	sshll.u32 s27, $0x1;
	_ =	strace $0x80000046;
	[dreg:$0x1] =	wrdreg $0xFFFFFFFF  }
0x20: {  	s28 =	simm.s32 $_size_execute0_lowered;
	s4 =	sadd.s32 s4, s5;
	[dreg:$0x0] =	wrdreg $0x0  }
0x21: {  	s5 =	sshll.u32 s28, $0x1;
	[dreg:$0x2] =	wrdreg s4  }
0x22: {  	[dreg:$0x3] =	wrdreg s5  }
0x23: {  	[dreg:$0x4] =	wrdreg $0xC0  }
0x24: {  	_ =	task [dreg:s8], $0x5FFFF  }
0x25: {  	[dreg:$0x1] =	wrdreg $0xFFFFFFFF  }
0x26: {  	[dreg:$0x0] =	wrdreg $0x60  }
0x27: {  	[dreg:$0x2] =	wrdreg s2  }
0x28: {  	[dreg:$0x3] =	wrdreg s20  }
0x29: {  	[dreg:$0x4] =	wrdreg $0x9  }
0x2a: {  	_ =	task.clear_ibuf [dreg:s8], $0x5FFFF;
	_ =	strace $0x90000046  }
0x2b: {  	s29 =	simm.s32 $0x9;
	_ =	strace $0x80000048  }
0x2c: {  	_ =	swait.ge [sflag:s29], $0x1  }
0x2d: {  	[sflag:s29] =	ssyncadd.s32 $0xFFFFFFFF  }
0x2e: {  	_ =	strace $0x90000048  }
0x2f: {  	_ =	sfence  }
0x30: {  	s30 =	sld [smem:$0x0];
	_ =	sdelay $0x2  }
0x31: {  	s31 =	sshll.u32 s1, $0xD;
	s1 =	sshrl.u32 s1, $0x2  }
0x32: {  	s3 =	sand.u32 $0x4000, s31;
	s1 =	sadd.s32 s1, s30  }
0x33: {  	s0 =	sor.u32 s3, s0;
	s1 =	sshll.u32 s1, $0x11  }
0x34: {  	s0 =	sor.u32 s1, s0  }
0x35: {  	s0 =	sadd.s32 $0x8F2B, s0  }
0x36: {  	[sflag:s0] =	ssyncadd.remote.s32 $0x1  }
0x37: {  	_ =	sfence.sel $0xFFFF  }
0x38: {  	[dreg:$0x0] =	wrdreg $0xFFFFFFFF;
	(pc) =	sbr.abs _section_cstart, $3  }
0x39: {  	[dreg:$0x1] =	wrdreg $0xFFFFFFFF  }
0x3a: {  	_ =	task.clear_ibuf [dreg:s8], $0x2FFFF;
	_ =	strace $0x9FFFFFFF  }
0x3b: {  	(tm) =	ssettm $0x7FFFFFFF  }
tec
execute0_lowered:
.L_overlay_start_1:
0x0: {  	(tag) =	ssettag $0x1  }
0x1: {  	s0 =	srdreg.scid  }
0x2: {  	s1 =	sshll.u32 s0, $0x4  }
0x3: {  	s2 =	rddreg [dreg:$0x0];
	s0 =	stileid.u32;
	s1 =	sand.u32 $0x10, s1  }
0x4: {  	s4 =	rddreg [dreg:$0x1];
	s1 =	sor.u32 s0, s1  }
0x5: {  	s7 =	simm.s32 $0x1;
	s8 =	simm.s32 $0x2;
	s3 =	sshll.u32 s1, $0x1  }
0x6: {  	s9 =	simm.s32 $0x0;
	s12 =	simm.s32 $0x0;
	s6 =	ssub.s32 $0x800, s3  }
.Ltmp0:
0x7: {  	s11 =	simm.s32 $0x0;
	s5 =	sand.u32 $0x3E, s6;
	(pc) =	sbr.rel .LBB1_1-.Ltmp0, $4  }
0x8: {  	s1 =	rddreg [dreg:$0x2];
	_ =	strace $0x80000047;
	p0 =	sne.s32 s5, $0x0  }
0x9: {  	s6 =	sshrl.u32 s6, $0x6;
	s5 =	simm.s32 $0x1;
	s7 =	simm.s32 @!p0 $0x0  }
0xa: {  	s10 =	smov.u32 s3;
	[sflag:s5] =	ssyncpa.u1 $0x0;
	s6 =	sadd.s32 s7, s6  }
0xb: {  	[sflag:s8] =	ssyncpa.u1 $0x0;
	s8 =	simm.s32 $0x0;
	s7 =	sadd.s32 $0x1, s6  }
.LBB1_9:
0xc: {  	s14 =	sadd.s32 $0x40, s10  }
0xd: {  	p1 =	sgt.s32 s14, $0x7FF  }
0xe: {  	s14 =	smov.u32 @p1 s3;
	p1 =	sne.s32 s11, s7  }
.Ltmp1:
0xf: {  	p0 =	slt.u32 s11, $0x2;
	(pc) =	sbr.rel @!p1 .LBB1_10-.Ltmp1, $4  }
0x10: {  	s13 =	simm.s32 @!p0 $0x2  }
0x11: {  	s15 =	sadd.s32 $0x1, s11;
	_ =	swait.ge @!p0 [sflag:s13], $0x4000  }
0x12: {  	s12 =	smov.u32 s10;
	s9 =	sadd.s32 $0x4000, s9;
	[sflag:s13] =	ssyncset.done @!p0 $0x0  }
0x13: {  	s11 =	smov.u32 s15;
	s10 =	smov.u32 s14;
	[sflag:s13] =	ssyncadd.s32 @!p0 $0xFFFFC000  }
.LBB1_1:
0x14: {  	p0 =	sge.u32 s11, s6  }
0x15: {  	s13 =	sxor.u32 @!p0 $0xFFFFFFFF, s11  }
0x16: {  	s31 =	sadd.s32 $0xFFFFFFFF, s11;
	s14 =	sshll.u32 @!p0 s10, $0xA;
	s13 =	sshll.u32 @!p0 s13, $0xE  }
0x17: {  	s15 =	simm.s32 @!p0 $0x0;
	s14 =	sadd.s32 @!p0 s2, s14;
	s13 =	sand.u32 @!p0 $0x4000, s13  }
0x18: {  	[tilespmem:s13], [sflag:$0x1] =	stream.linear.gather @!p0 [hbm4b:s14+s15], $0x4000, $0x38;
	[tilespmem:$0x10000] =	vst v63  }
0x19: {  	p0 =	sge.u32 s31, s6  }
.Ltmp2:
0x1a: {  	_ = 	snop;
	(pc) =	sbr.rel @p0 .LBB1_9-.Ltmp2, $1  }
0x1b: {  	_ =	sdelay $0x3  }
0x1c: {  	s13 =	sshll.u32 s9, $0x2  }
0x1d: {  	_ =	swait.ge [sflag:s5], $0x4000;
	s14 =	sshll.u32 s11, $0xE;
	s16 =	simm.s32 $0x0  }
0x1e: {  	p1 =	por $0x1, $0x1;
	s13 =	sand.u32 $0x10000, s13;
	[sflag:s5] =	ssyncset.done $0x0  }
0x1f: {  	s14 =	sand.u32 $0x4000, s14;
	s15 =	sshrl.u32 s13, $0x2;
	[sflag:s5] =	ssyncadd.s32 $0xFFFFC000  }
0x20: {  	s13 =	sor.u32 $0x8000, s14;
	s14 =	sadd.s32 $0x8040, s15;
	s15 =	sadd.s32 $0x40, s15  }
.LBB1_3:
0x21: {  	s16 =	sshll.u32 s16, $0x2  }
0x22: {  	p0 =	por p1, p1;
	s17 =	sshra.s32 s16, $0x2  }
0x23: {  	s18 =	simm.s32 $0x0;
	s16 =	sadd.s32 s17, s14;
	s17 =	sadd.s32 s17, s15  }
.LBB1_4:
0x24: {  	v0 =	vmov s17;
	_ =	sdelay $0x3  }
0x25: {  	s20 =	simm.s32 $0x0  }
0x26: {  	v6 =	vld.idx.msk [tilespmem:v0+s20+$0x30 ss:$0x1], $0xffff  }
0x27: {  	v7 =	vld.idx.msk [tilespmem:v0+s20+$0xFFFFFFC0 ss:$0x1], $0xffff  }
0x28: {  	v5 =	vld.idx.msk [tilespmem:v0+s20+$0xFFFFFFD0 ss:$0x1], $0xffff  }
0x29: {  	v4 =	vld.idx.msk [tilespmem:v0+s20+$0xFFFFFFE0 ss:$0x1], $0xffff  }
0x2a: {  	v3 =	vld.idx.msk [tilespmem:v0+s20+$0xFFFFFFF0 ss:$0x1], $0xffff  }
0x2b: {  	v1 =	vld.idx.msk [tilespmem:v0+s20+$0x0 ss:$0x1], $0xffff  }
0x2c: {  	v2 =	vld.idx.msk [tilespmem:v0+s20+$0x10 ss:$0x1], $0xffff;
	[tilespmem:s16+$0x30] =	vst v6  }
0x2d: {  	s19 =	simm.s32 $0x80;
	s21 =	simm.s32 $0x400;
	[tilespmem:s16+$0xFFFFFFC0] =	vst v7;
	v6 =	vld.idx.msk [tilespmem:v0+s20+$0x20 ss:$0x1], $0xffff;
	s20 =	smov.u32 s16  }
.LBB1_5:
0x2e: {  	p1 =	sne.s32 s21, $0xE00;
	v7 =	vld.idx.msk [tilespmem:v0+s19+$0x30 ss:$0x1], $0xffff;
	[tilespmem:s20+$0xFFFFFFD0] =	vst v5  }
0x2f: {  	v8 =	vld.idx.msk [tilespmem:v0+s19+$0xFFFFFFC0 ss:$0x1], $0xffff;
	[tilespmem:s20+$0xFFFFFFE0] =	vst v4  }
0x30: {  	v5 =	vld.idx.msk [tilespmem:v0+s19+$0xFFFFFFD0 ss:$0x1], $0xffff;
	[tilespmem:s20+$0xFFFFFFF0] =	vst v3  }
.Ltmp3:
0x31: {  	v4 =	vld.idx.msk [tilespmem:v0+s19+$0xFFFFFFE0 ss:$0x1], $0xffff;
	[tilespmem:s20+$0x0] =	vst v1;
	(pc) =	sbr.rel @p1 .LBB1_5-.Ltmp3, $4  }
0x32: {  	v3 =	vld.idx.msk [tilespmem:v0+s19+$0xFFFFFFF0 ss:$0x1], $0xffff;
	[tilespmem:s20+$0x10] =	vst v2  }
0x33: {  	v1 =	vld.idx.msk [tilespmem:v0+s19+$0x0 ss:$0x1], $0xffff;
	[tilespmem:s20+$0x20] =	vst v6;
	s20 =	sadd.s32 $0x400, s20  }
0x34: {  	v2 =	vld.idx.msk [tilespmem:v0+s19+$0x10 ss:$0x1], $0xffff;
	[tilespmem:s20+$0x30] =	vst v7  }
0x35: {  	[tilespmem:s20+$0xFFFFFFC0] =	vst v8;
	v6 =	vld.idx.msk [tilespmem:v0+s19+$0x20 ss:$0x1], $0xffff;
	s19 =	sshra.s32 s21, $0x2;
	s21 =	sadd.s32 $0x200, s21  }
0x36: {  	_ =	sdelay $0x2  }
0x37: {  	[tilespmem:s20+$0xFFFFFFD0] =	vst v5  }
0x38: {  	v56 =	vld.idx.msk [tilespmem:v0+s19+$0x30 ss:$0x1], $0xffff;
	[tilespmem:s20+$0xFFFFFFE0] =	vst v4  }
0x39: {  	v57 =	vld.idx.msk [tilespmem:v0+s19+$0xFFFFFFC0 ss:$0x1], $0xffff;
	[tilespmem:s20+$0xFFFFFFF0] =	vst v3  }
0x3a: {  	v58 =	vld.idx.msk [tilespmem:v0+s19+$0xFFFFFFD0 ss:$0x1], $0xffff;
	[tilespmem:s20+$0x0] =	vst v1  }
0x3b: {  	v59 =	vld.idx.msk [tilespmem:v0+s19+$0xFFFFFFE0 ss:$0x1], $0xffff;
	[tilespmem:s20+$0x10] =	vst v2  }
0x3c: {  	v60 =	vld.idx.msk [tilespmem:v0+s19+$0xFFFFFFF0 ss:$0x1], $0xffff;
	s31 =	sadd.s32 $0x400, s20;
	[tilespmem:s20+$0x20] =	vst v6  }
0x3d: {  	v61 =	vld.idx.msk [tilespmem:v0+s19+$0x0 ss:$0x1], $0xffff;
	[tilespmem:s31+$0x30] =	vst v56  }
0x3e: {  	v62 =	vld.idx.msk [tilespmem:v0+s19+$0x10 ss:$0x1], $0xffff;
	s18 =	sadd.s32 $0x1, s18;
	[tilespmem:s31+$0xFFFFFFC0] =	vst v57  }
0x3f: {  	v63 =	vld.idx.msk [tilespmem:v0+s19+$0x20 ss:$0x1], $0xffff;
	p1 =	sne.s32 s18, $0x8;
	[tilespmem:s31+$0xFFFFFFD0] =	vst v58  }
.Ltmp4:
0x40: {  	[tilespmem:s31+$0xFFFFFFE0] =	vst v59;
	(pc) =	sbr.rel @p1 .LBB1_4-.Ltmp4, $4  }
0x41: {  	[tilespmem:s31+$0xFFFFFFF0] =	vst v60  }
0x42: {  	[tilespmem:s31+$0x0] =	vst v61  }
0x43: {  	[tilespmem:s31+$0x10] =	vst v62  }
0x44: {  	s16 =	sadd.s32 $0x80, s16;
	s17 =	sadd.s32 $0x400, s17;
	[tilespmem:s31+$0x20] =	vst v63  }
.Ltmp5:
0x45: {  	(pc) =	sbr.rel @p0 .LBB1_3-.Ltmp5, $2  }
0x46: {  	_ =	sdelay $0x2  }
0x47: {  	s16 =	simm.s32 $0x2000;
	p1 =	por $0x0, $0x0  }
.Ltmp6:
0x48: {  	(pc) =	sbr.rel .LBB1_9-.Ltmp6, $4  }
0x49: {  	_ = 	snop  }
0x4a: {  	s12 =	sshll.u32 s12, $0xA  }
0x4b: {  	s12 =	sadd.s32 s4, s12  }
0x4c: {  	[hbm4b:s12+s8] =	stream.linear.scatter [tilespmem:s13], [sflag:$0x2], $0x4000, $0x38;
	[tilespmem:$0x10000] =	vst v63  }
.LBB1_10:
0x4d: {  	_ =	sfence.sel $0x180000  }
0x4e: {  	s2 =	simm.s32 $0x1;
	[bflag:$0x0] =	sbarrier.arrive $0xFFFF  }
0x4f: {  	s31 =	simm.s32 $0x2;
	[sflag:s2] =	ssyncpa.u1 $0x1  }
0x50: {  	[sflag:s31] =	ssyncpa.u1 $0x1  }
0x51: {  	p0 =	sne.s32 s0, $0x0;
	_ =	strace $0x90000047  }
0x52: {  	s0 =	sadd.s32 @!p0 $0x100000, s1;
	[bflag:$0x2] =	sbarrier.arrive $0xFFFF  }
0x53: {  	[sflag:s0] =	ssyncadd.tile.s32 @!p0 $0x1;
	_ =	shalt  }
.Lfunc_end1:
_tile_overlayer_lowered:
.L_overlay_start_2:
0x54: {  	(tag) =	ssettag $0x2  }
0x55: {  	s0 =	rddreg [dreg:$0x0];
	s2 =	stileid.u32  }
0x56: {  	s1 =	rddreg [dreg:$0x1];
	p0 =	sne.s32 s2, $0x0  }
0x57: {  	s3 =	rddreg [dreg:$0x2];
	[bflag:$0x3] =	sbarrier.arrive $0xFFFF;
	s2 =	simm.s32 @!p0 $0x1C01  }
0x58: {  	[timem:s3], [sflag:s2] =	dma.local @!p0 [hbm:s0], s1  }
0x59: {  	s0 =	simm.s32 @!p0 $0x1  }
0x5a: {  	_ =	swait.ge @!p0 [sflag:s0], s1  }
0x5b: {  	s1 =	ssub.s32 @!p0 $0x0, s1;
	[sflag:s0] =	ssyncset.done @!p0 $0x0  }
0x5c: {  	[sflag:s0] =	ssyncadd.s32 @!p0 s1  }
0x5d: {  	[bflag:$0x3] =	sbarrier.arrive $0xFFFF  }
0x5e: {  	_ =	shalt  }

</sc_bundles>
